<compile_context>
chip_gen: v7x
topology: tpu7x:2x2x1
jax: 0.10.2.dev20260603
libtpu: 0.0.44.dev20260713+nightly
codegen_flags: <defaults>
</compile_context>

<pallas_src>
import functools

import jax
import jax.numpy as jnp
from jax import lax
from jax.experimental import pallas as pl
from jax.experimental.pallas import tpu as pltpu
from jax.experimental.pallas import tpu_sc as plsc

D = 128
BA = 128
BC = 128
_PAD = 256
_CELLS = 32
_SIDE = 188.0
_EPS = 1e-5
_MARGIN = 2.0


def _interleave_bits(v):
    v = (v | (v << 8)) & 0x00FF00FF
    v = (v | (v << 4)) & 0x0F0F0F0F
    v = (v | (v << 2)) & 0x33333333
    v = (v | (v << 1)) & 0x55555555
    return v


def _morton(ctrs):
    cs = _SIDE / _CELLS
    cx = jnp.clip((ctrs[:, 0] / cs).astype(jnp.int32), 0, _CELLS - 1)
    cy = jnp.clip((ctrs[:, 1] / cs).astype(jnp.int32), 0, _CELLS - 1)
    return _interleave_bits(cx) | (_interleave_bits(cy) << 1)


def _gnorm(x, g, b):
    mu = jnp.mean(x, axis=-1, keepdims=True)
    xc = x - mu
    var = jnp.mean(xc * xc, axis=-1, keepdims=True)
    return xc * jax.lax.rsqrt(var + _EPS) * g + b


def _cc_body(ctx_ref, w_ref, out_ref):
    out_ref[...] = jnp.dot(ctx_ref[...], w_ref[...],
                           preferred_element_type=jnp.float32)


def _fused_body(nctx, counts, jlist, th, agts, actr, cctr, cc,
                wq, gq, bq, wc1b, w1, b1, wd2, gd2, bd2, wc1a, gc1, bc1,
                wa, wc2, gng, gnb, wl, gl, bl, out):
    i = pl.program_id(0)
    a = agts[...]
    q = _gnorm(jnp.dot(a, wq[...], preferred_element_type=jnp.float32),
               gq[...], bq[...])
    q = jnp.maximum(q, 0.0)
    qc3 = jnp.dot(q, wc1b[...],
                  preferred_element_type=jnp.float32).reshape(BA, 1, D)
    ac = actr[...]
    axl = jnp.broadcast_to(ac[:, 0:1], (BA, D)).reshape(BA, 1, D)
    ayl = jnp.broadcast_to(ac[:, 1:2], (BA, D)).reshape(BA, 1, D)
    na23 = axl * axl + ayl * ayl
    axb = axl.astype(jnp.bfloat16).astype(jnp.float32)
    ayb = ayl.astype(jnp.bfloat16).astype(jnp.float32)
    thv = th[0, 0]
    th2 = thv * thv
    w1x = w1[0:1, :].reshape(1, 1, D)
    w1y = w1[1:2, :].reshape(1, 1, D)
    b13 = b1[...].reshape(1, 1, D)
    gc13 = gc1[...].reshape(1, 1, D)
    bc13 = bc1[...].reshape(1, 1, D)
    jofs3 = jax.lax.broadcasted_iota(jnp.int32, (1, BC, D), 1)

    def step(k, acc):
        j = jlist[i, k]
        off = j * BC
        cb = cctr[pl.ds(off, BC), :]
        cxl = jnp.broadcast_to(cb[:, 0:1], (BC, D)).reshape(1, BC, D)
        cyl = jnp.broadcast_to(cb[:, 1:2], (BC, D)).reshape(1, BC, D)
        nc23 = cxl * cxl + cyl * cyl
        cxb = cxl.astype(jnp.bfloat16).astype(jnp.float32)
        cyb = cyl.astype(jnp.bfloat16).astype(jnp.float32)
        d23 = (na23 + nc23) - 2.0 * (axb * cxb + ayb * cyb)
        m3 = jnp.logical_and(d23 <= th2, (jofs3 + off) < nctx)
        dx3 = axl - cxl
        dy3 = ayl - cyl
        h = jnp.maximum(dx3 * w1x + dy3 * w1y + b13, 0.0)
        t = jnp.dot(h.reshape(BA * BC, D), wd2[...],
                    preferred_element_type=jnp.float32)
        dist = jnp.maximum(_gnorm(t, gd2[...], bd2[...]), 0.0)
        de = jnp.dot(dist, wc1a[...], preferred_element_type=jnp.float32)
        ccj = cc[pl.ds(off, BC), :].reshape(1, BC, D)
        u = de.reshape(BA, BC, D) + qc3 + ccj
        c = jnp.maximum(_gnorm(u, gc13, bc13), 0.0)
        c = jnp.where(m3, c, 0.0)
        return acc + jnp.sum(c, axis=1)

    n = counts[0, i]
    s = jax.lax.fori_loop(0, n, step, jnp.zeros((BA, D), jnp.float32))
    o = (jnp.dot(a, wa[...], preferred_element_type=jnp.float32)
         + jnp.dot(s, wc2[...], preferred_element_type=jnp.float32))
    o = jnp.maximum(_gnorm(o, gng[...], gnb[...]), 0.0)
    o = _gnorm(jnp.dot(o, wl[...], preferred_element_type=jnp.float32),
               gl[...], bl[...]) + a
    out[...] = jnp.maximum(o, 0.0)


def _sc_gather_rows(table, idx):
    b = idx.shape[0]
    info = plsc.get_sparse_core_info()
    nw = info.num_cores * info.num_subcores
    bpw = b // nw
    mesh = plsc.VectorSubcoreMesh(core_axis_name="c", subcore_axis_name="s")

    @functools.partial(
        pl.kernel, mesh=mesh,
        out_type=jax.ShapeDtypeStruct((b, D), jnp.float32),
        scratch_types=[
            pltpu.VMEM((bpw,), jnp.int32),
            pltpu.VMEM((bpw, D), jnp.float32),
            pltpu.SemaphoreType.DMA,
        ],
    )
    def k(table_hbm, idx_hbm, out_hbm, idx_v, rows_v, sem):
        wid = lax.axis_index("s") * info.num_cores + lax.axis_index("c")
        base = wid * bpw
        pltpu.sync_copy(idx_hbm.at[pl.ds(base, bpw)], idx_v)
        pltpu.async_copy(table_hbm.at[idx_v], rows_v, sem).wait()
        pltpu.sync_copy(rows_v, out_hbm.at[pl.ds(base, bpw)])

    return k(table, idx)


def _pad_perm(keys, npad):
    perm = jnp.argsort(keys)
    n = keys.shape[0]
    return jnp.concatenate(
        [perm, jnp.full((npad - n,), perm[-1], perm.dtype)]), perm


def kernel(agts, agt_ctrs, ctx, ctx_ctrs, Wd1, bd1, Wd2, gd2, bd2, Wq, gq,
           bq, Wc1, gc1, bc1, Wc2, Wa, gn_g, gn_b, Wl, gl, bl, dist_th):
    na = agts.shape[0]
    nctx = ctx.shape[0]
    npa = -(-na // _PAD) * _PAD
    npc = -(-nctx // _PAD) * _PAD
    nbi = npa // BA
    nbj = npc // BC

    perm_a, perm_a0 = _pad_perm(_morton(agt_ctrs), npa)
    perm_c, _ = _pad_perm(_morton(ctx_ctrs), npc)
    agts_s = _sc_gather_rows(agts, perm_a)
    actr_s = jnp.take(agt_ctrs, perm_a, axis=0)
    ctx_s = _sc_gather_rows(ctx, perm_c)
    cctr_s = jnp.take(ctx_ctrs, perm_c, axis=0)
    inv_perm = jnp.zeros((na,), jnp.int32).at[perm_a0].set(
        jnp.arange(na, dtype=jnp.int32))

    ab = actr_s.reshape(nbi, BA, 2)
    cb = cctr_s.reshape(nbj, BC, 2)
    amin, amax = ab.min(axis=1), ab.max(axis=1)
    cmin, cmax = cb.min(axis=1), cb.max(axis=1)
    gap = jnp.maximum(
        0.0, jnp.maximum(amin[:, None, :] - cmax[None, :, :],
                         cmin[None, :, :] - amax[:, None, :]))
    absa = jnp.abs(ab).max(axis=1)
    absc = jnp.abs(cb).max(axis=1)
    marg = (absa[:, None, 0] * absc[None, :, 0]
            + absa[:, None, 1] * absc[None, :, 1]) * (2.0 ** -7) + _MARGIN
    act = jnp.sum(gap * gap, axis=-1) <= dist_th * dist_th + marg
    counts = jnp.sum(act, axis=1, dtype=jnp.int32).reshape(1, nbi)
    jlist = jnp.argsort(jnp.logical_not(act), axis=1,
                        stable=True).astype(jnp.int32)

    cc = pl.pallas_call(
        _cc_body,
        grid=(nbj,),
        in_specs=[pl.BlockSpec((BC, D), lambda i: (i, 0)),
                  pl.BlockSpec((D, D), lambda i: (0, 0))],
        out_specs=pl.BlockSpec((BC, D), lambda i: (i, 0)),
        out_shape=jax.ShapeDtypeStruct((npc, D), jnp.float32),
    )(ctx_s, Wc1[:, 2 * D:].T)

    th = jnp.reshape(dist_th, (1, 1)).astype(jnp.float32)
    smem = pl.BlockSpec(memory_space=pltpu.SMEM)
    whole = pl.BlockSpec((D, D), lambda i: (0, 0))
    vec = pl.BlockSpec((1, D), lambda i: (0, 0))

    out_s = pl.pallas_call(
        functools.partial(_fused_body, nctx),
        grid=(nbi,),
        in_specs=[
            smem,
            smem,
            smem,
            pl.BlockSpec((BA, D), lambda i: (i, 0)),
            pl.BlockSpec((BA, 2), lambda i: (i, 0)),
            pl.BlockSpec((npc, 2), lambda i: (0, 0)),
            pl.BlockSpec((npc, D), lambda i: (0, 0)),
            whole, vec, vec,
            whole,
            pl.BlockSpec((2, D), lambda i: (0, 0)),
            vec,
            whole, vec, vec,
            whole, vec, vec,
            whole, whole,
            vec, vec,
            whole, vec, vec,
        ],
        out_specs=pl.BlockSpec((BA, D), lambda i: (i, 0)),
        out_shape=jax.ShapeDtypeStruct((npa, D), jnp.float32),
        compiler_params=pltpu.CompilerParams(
            dimension_semantics=("arbitrary",),
            vmem_limit_bytes=100 * 1024 * 1024,
        ),
    )(counts, jlist, th, agts_s, actr_s, cctr_s, cc,
      Wq.T, gq.reshape(1, D), bq.reshape(1, D),
      Wc1[:, D:2 * D].T,
      Wd1.T, bd1.reshape(1, D),
      Wd2.T, gd2.reshape(1, D), bd2.reshape(1, D),
      Wc1[:, :D].T, gc1.reshape(1, D), bc1.reshape(1, D),
      Wa.T, Wc2.T,
      gn_g.reshape(1, D), gn_b.reshape(1, D),
      Wl.T, gl.reshape(1, D), bl.reshape(1, D))

    inv_pad = jnp.concatenate(
        [inv_perm, jnp.zeros((npa - na,), jnp.int32)])
    return _sc_gather_rows(out_s, inv_pad)[:na]

# --- scband reference (transcript-rebuilt; emitter-appended) ---
"""Pipeline reference for scband-lanegcn-4604204941654 (READ-ONLY COPY).

The authoritative reference and input builder live on the scoring server;
editing this copy changes nothing except your own understanding.
"""

import jax, jax.numpy as jnp
import numpy as np

N_AGT = 10000
N_CTX = 10000
D = 128
L = 188.0

def _gn(x, g, b, eps=1e-5):
    mu = jnp.mean(x, axis=1, keepdims=True)
    var = jnp.mean((x - mu) ** 2, axis=1, keepdims=True)
    return (x - mu) / jnp.sqrt(var + eps) * g + b

def setup_inputs(seed: int = 0):
    key = jax.random.key(seed)
    ks = jax.random.split(key, 12)
    s = 0.05
    inp = {}
    inp['agts'] = jax.random.normal(ks[0], (N_AGT, D), dtype=jnp.float32)
    inp['agt_ctrs'] = jax.random.uniform(ks[1], (N_AGT, 2), dtype=jnp.float32) * L
    inp['ctx'] = jax.random.normal(ks[2], (N_CTX, D), dtype=jnp.float32)
    inp['ctx_ctrs'] = jax.random.uniform(ks[3], (N_CTX, 2), dtype=jnp.float32) * L
    inp['Wd1'] = jax.random.normal(ks[4], (D, 2), dtype=jnp.float32) * s
    inp['bd1'] = jnp.zeros((D,), jnp.float32)
    inp['Wd2'] = jax.random.normal(ks[5], (D, D), dtype=jnp.float32) * s
    inp['gd2'] = jnp.ones((D,), jnp.float32)
    inp['bd2'] = jnp.zeros((D,), jnp.float32)
    inp['Wq'] = jax.random.normal(ks[6], (D, D), dtype=jnp.float32) * s
    inp['gq'] = jnp.ones((D,), jnp.float32)
    inp['bq'] = jnp.zeros((D,), jnp.float32)
    inp['Wc1'] = jax.random.normal(ks[7], (D, 3 * D), dtype=jnp.float32) * s
    inp['gc1'] = jnp.ones((D,), jnp.float32)
    inp['bc1'] = jnp.zeros((D,), jnp.float32)
    inp['Wc2'] = jax.random.normal(ks[8], (D, D), dtype=jnp.float32) * s
    inp['Wa'] = jax.random.normal(ks[9], (D, D), dtype=jnp.float32) * s
    inp['gn_g'] = jnp.ones((D,), jnp.float32)
    inp['gn_b'] = jnp.zeros((D,), jnp.float32)
    inp['Wl'] = jax.random.normal(ks[10], (D, D), dtype=jnp.float32) * s
    inp['gl'] = jnp.ones((D,), jnp.float32)
    inp['bl'] = jnp.zeros((D,), jnp.float32)
    inp['dist_th'] = jnp.float32(6.0)
    return inp

def reference(agts, agt_ctrs, ctx, ctx_ctrs, Wd1, bd1, Wd2, gd2, bd2, Wq, gq, bq, Wc1, gc1, bc1, Wc2, Wa, gn_g, gn_b, Wl, gl, bl, dist_th):
    res = agts
    # pairwise squared distances (batch_size=1 case of the per-batch loop)
    d2 = jnp.sum(agt_ctrs ** 2, 1)[:, None] + jnp.sum(ctx_ctrs ** 2, 1)[None, :] - 2.0 * (agt_ctrs @ ctx_ctrs.T)
    mask = d2 <= dist_th * dist_th
    n_agt = agts.shape[0]
    n_ctx = ctx.shape[0]
    d = agts.shape[1]
    query = jax.nn.relu(_gn(agts @ Wq.T, gq, bq))
    C = 10
    steps = n_agt // C
    xs = (mask.reshape(steps, C, n_ctx),
          agt_ctrs.reshape(steps, C, 2),
          query.reshape(steps, C, d))

    def body(carry, x):
        m_c, actr_c, q_c = x
        # per-edge features
        dvec = (actr_c[:, None, :] - ctx_ctrs[None, :, :]).reshape(C * n_ctx, 2)
        h = jax.nn.relu(dvec @ Wd1.T + bd1)
        dist = jax.nn.relu(_gn(h @ Wd2.T, gd2, bd2))
        cat = jnp.concatenate([dist, jnp.repeat(q_c, n_ctx, axis=0), jnp.tile(ctx, (C, 1))], axis=1)
        c = jax.nn.relu(_gn(cat @ Wc1.T, gc1, bc1))
        c = (c @ Wc2.T).reshape(C, n_ctx, d)
        contrib = jnp.sum(jnp.where(m_c[:, :, None], c, jnp.float32(0.0)), axis=1)
        return carry, contrib

    _, contribs = jax.lax.scan(body, 0, xs)
    # aggregate: agts = self.agt(agts); agts.index_add_(0, hi, ctx)
    a = agts @ Wa.T
    a = a + contribs.reshape(n_agt, d)
    a = jax.nn.relu(_gn(a, gn_g, gn_b))
    a = _gn(a @ Wl.T, gl, bl)
    a = a + res
    return jax.nn.relu(a)

if __name__ == "__main__":
    import jax
    _d = setup_inputs()
    print(jax.jit(kernel)(*tuple(_d.values())))

</pallas_src>

<mosaic_0001>
#map = affine_map<(d0, d1) -> (0, 0)>
#map1 = affine_map<(d0, d1) -> (0)>
module attributes {stable_mosaic.version = 14 : i64} {
  func.func @k(%arg0: i32, %arg1: i32, %arg2: memref<10000x128xf32, #tpu.memory_space<hbm>>, %arg3: memref<10240xi32, #tpu.memory_space<hbm>>, %arg4: memref<10240x128xf32, #tpu.memory_space<hbm>>, %arg5: memref<320xi32, #tpu.memory_space<vmem>>, %arg6: memref<320x128xf32, #tpu.memory_space<vmem>>, %arg7: memref<!tpu.dma_semaphore, #tpu.memory_space<semaphore_mem>>) attributes {dimension_semantics = [#tpu.dimension_semantics<core_parallel>, #tpu.dimension_semantics<subcore_parallel>], iteration_bounds = array<i64: 2, 16>, scalar_prefetch = 0 : i64, scratch_operands = 3 : i64, tpu.core_type = #tpu.core_type<sc_vector_subcore>, window_params = [{transform_indices = #map}, {transform_indices = #map1}, {transform_indices = #map}]} {
    %mul3A = arith.constant 2 : i32
    %mul3A_0 = arith.muli %arg1, %mul3A : i32
    %add3A = arith.addi %mul3A_0, %arg0 : i32
    %mul3A_1 = arith.constant 320 : i32
    %mul3A_2 = arith.muli %add3A, %mul3A_1 : i32
    "tpu.region"() ({
      %run_scoped3A = tpu.sem_alloc : memref<!tpu.dma_semaphore, #tpu.memory_space<semaphore_mem>>
      %dma_start3A_7 = tpu.memref_slice %arg3[%mul3A_2] : memref<10240xi32, #tpu.memory_space<hbm>> -> memref<320xi32, #tpu.memory_space<hbm>>
      %dma_start3A_8 = tpu.memref_slice %arg3[%mul3A_2] : memref<10240xi32, #tpu.memory_space<hbm>> -> memref<320xi32, #tpu.memory_space<hbm>>
      tpu.enqueue_dma source(%dma_start3A_8 : memref<320xi32, #tpu.memory_space<hbm>>) target(%arg5 : memref<320xi32, #tpu.memory_space<vmem>>) target_semaphore(%run_scoped3A : memref<!tpu.dma_semaphore, #tpu.memory_space<semaphore_mem>>)
      %dma_wait3A_9 = tpu.memref_slice %arg3[%mul3A_2] : memref<10240xi32, #tpu.memory_space<hbm>> -> memref<320xi32, #tpu.memory_space<hbm>>
      %dma_wait3A_10 = tpu.memref_slice %arg3[%mul3A_2] : memref<10240xi32, #tpu.memory_space<hbm>> -> memref<320xi32, #tpu.memory_space<hbm>>
      tpu.wait_dma2 semaphore(%run_scoped3A : memref<!tpu.dma_semaphore, #tpu.memory_space<semaphore_mem>>) src(%dma_wait3A_10 : memref<320xi32, #tpu.memory_space<hbm>>) dst(%arg5 : memref<320xi32, #tpu.memory_space<vmem>>)
      tpu.yield
    }) : () -> ()
    %dma_start3A = arith.constant 0 : i32
    %dma_start3A_3 = arith.constant 0 : i32
    %dma_start3A_4 = tpu.memref_slice %arg2[%dma_start3A, %dma_start3A_3] : memref<10000x128xf32, #tpu.memory_space<hbm>> -> memref<10000x128xf32, #tpu.memory_space<hbm>>
    tpu.enqueue_indirect_dma source(%dma_start3A_4 : memref<10000x128xf32, #tpu.memory_space<hbm>>) target(%arg6 : memref<320x128xf32, #tpu.memory_space<vmem>>) offsets(%arg5 : memref<320xi32, #tpu.memory_space<vmem>>) semaphore(%arg7 : memref<!tpu.dma_semaphore, #tpu.memory_space<semaphore_mem>>)
    %dma_wait3A = arith.constant 0 : i32
    %dma_wait3A_5 = arith.constant 0 : i32
    %dma_wait3A_6 = tpu.memref_slice %arg2[%dma_wait3A, %dma_wait3A_5] : memref<10000x128xf32, #tpu.memory_space<hbm>> -> memref<10000x128xf32, #tpu.memory_space<hbm>>
    tpu.wait_indirect_dma semaphore(%arg7 : memref<!tpu.dma_semaphore, #tpu.memory_space<semaphore_mem>>) src(%dma_wait3A_6 : memref<10000x128xf32, #tpu.memory_space<hbm>>) dst(%arg6 : memref<320x128xf32, #tpu.memory_space<vmem>>)
    "tpu.region"() ({
      %run_scoped3A = tpu.sem_alloc : memref<!tpu.dma_semaphore, #tpu.memory_space<semaphore_mem>>
      %dma_start3A_7 = arith.constant 0 : i32
      %dma_start3A_8 = tpu.memref_slice %arg4[%mul3A_2, %dma_start3A_7] : memref<10240x128xf32, #tpu.memory_space<hbm>> -> memref<320x128xf32, #tpu.memory_space<hbm>>
      %dma_start3A_9 = arith.constant 0 : i32
      %dma_start3A_10 = tpu.memref_slice %arg4[%mul3A_2, %dma_start3A_9] : memref<10240x128xf32, #tpu.memory_space<hbm>> -> memref<320x128xf32, #tpu.memory_space<hbm>>
      tpu.enqueue_dma source(%arg6 : memref<320x128xf32, #tpu.memory_space<vmem>>) target(%dma_start3A_10 : memref<320x128xf32, #tpu.memory_space<hbm>>) target_semaphore(%run_scoped3A : memref<!tpu.dma_semaphore, #tpu.memory_space<semaphore_mem>>)
      %dma_wait3A_11 = arith.constant 0 : i32
      %dma_wait3A_12 = tpu.memref_slice %arg4[%mul3A_2, %dma_wait3A_11] : memref<10240x128xf32, #tpu.memory_space<hbm>> -> memref<320x128xf32, #tpu.memory_space<hbm>>
      %dma_wait3A_13 = arith.constant 0 : i32
      %dma_wait3A_14 = tpu.memref_slice %arg4[%mul3A_2, %dma_wait3A_13] : memref<10240x128xf32, #tpu.memory_space<hbm>> -> memref<320x128xf32, #tpu.memory_space<hbm>>
      tpu.wait_dma2 semaphore(%run_scoped3A : memref<!tpu.dma_semaphore, #tpu.memory_space<semaphore_mem>>) src(%arg6 : memref<320x128xf32, #tpu.memory_space<vmem>>) dst(%dma_wait3A_14 : memref<320x128xf32, #tpu.memory_space<hbm>>)
      tpu.yield
    }) : () -> ()
    return
  }
}

#map = affine_map<(d0, d1) -> (0, 0)>
#map1 = affine_map<(d0, d1) -> (0)>
module attributes {stable_mosaic.version = 14 : i64} {
  func.func @k(%arg0: i32, %arg1: i32, %arg2: memref<10240x128xf32, #tpu.memory_space<hbm>>, %arg3: memref<10240xi32, #tpu.memory_space<hbm>>, %arg4: memref<10240x128xf32, #tpu.memory_space<hbm>>, %arg5: memref<320xi32, #tpu.memory_space<vmem>>, %arg6: memref<320x128xf32, #tpu.memory_space<vmem>>, %arg7: memref<!tpu.dma_semaphore, #tpu.memory_space<semaphore_mem>>) attributes {dimension_semantics = [#tpu.dimension_semantics<core_parallel>, #tpu.dimension_semantics<subcore_parallel>], iteration_bounds = array<i64: 2, 16>, scalar_prefetch = 0 : i64, scratch_operands = 3 : i64, tpu.core_type = #tpu.core_type<sc_vector_subcore>, window_params = [{transform_indices = #map}, {transform_indices = #map1}, {transform_indices = #map}]} {
    %mul3A = arith.constant 2 : i32
    %mul3A_0 = arith.muli %arg1, %mul3A : i32
    %add3A = arith.addi %mul3A_0, %arg0 : i32
    %mul3A_1 = arith.constant 320 : i32
    %mul3A_2 = arith.muli %add3A, %mul3A_1 : i32
    "tpu.region"() ({
      %run_scoped3A = tpu.sem_alloc : memref<!tpu.dma_semaphore, #tpu.memory_space<semaphore_mem>>
      %dma_start3A_7 = tpu.memref_slice %arg3[%mul3A_2] : memref<10240xi32, #tpu.memory_space<hbm>> -> memref<320xi32, #tpu.memory_space<hbm>>
      %dma_start3A_8 = tpu.memref_slice %arg3[%mul3A_2] : memref<10240xi32, #tpu.memory_space<hbm>> -> memref<320xi32, #tpu.memory_space<hbm>>
      tpu.enqueue_dma source(%dma_start3A_8 : memref<320xi32, #tpu.memory_space<hbm>>) target(%arg5 : memref<320xi32, #tpu.memory_space<vmem>>) target_semaphore(%run_scoped3A : memref<!tpu.dma_semaphore, #tpu.memory_space<semaphore_mem>>)
      %dma_wait3A_9 = tpu.memref_slice %arg3[%mul3A_2] : memref<10240xi32, #tpu.memory_space<hbm>> -> memref<320xi32, #tpu.memory_space<hbm>>
      %dma_wait3A_10 = tpu.memref_slice %arg3[%mul3A_2] : memref<10240xi32, #tpu.memory_space<hbm>> -> memref<320xi32, #tpu.memory_space<hbm>>
      tpu.wait_dma2 semaphore(%run_scoped3A : memref<!tpu.dma_semaphore, #tpu.memory_space<semaphore_mem>>) src(%dma_wait3A_10 : memref<320xi32, #tpu.memory_space<hbm>>) dst(%arg5 : memref<320xi32, #tpu.memory_space<vmem>>)
      tpu.yield
    }) : () -> ()
    %dma_start3A = arith.constant 0 : i32
    %dma_start3A_3 = arith.constant 0 : i32
    %dma_start3A_4 = tpu.memref_slice %arg2[%dma_start3A, %dma_start3A_3] : memref<10240x128xf32, #tpu.memory_space<hbm>> -> memref<10240x128xf32, #tpu.memory_space<hbm>>
    tpu.enqueue_indirect_dma source(%dma_start3A_4 : memref<10240x128xf32, #tpu.memory_space<hbm>>) target(%arg6 : memref<320x128xf32, #tpu.memory_space<vmem>>) offsets(%arg5 : memref<320xi32, #tpu.memory_space<vmem>>) semaphore(%arg7 : memref<!tpu.dma_semaphore, #tpu.memory_space<semaphore_mem>>)
    %dma_wait3A = arith.constant 0 : i32
    %dma_wait3A_5 = arith.constant 0 : i32
    %dma_wait3A_6 = tpu.memref_slice %arg2[%dma_wait3A, %dma_wait3A_5] : memref<10240x128xf32, #tpu.memory_space<hbm>> -> memref<10240x128xf32, #tpu.memory_space<hbm>>
    tpu.wait_indirect_dma semaphore(%arg7 : memref<!tpu.dma_semaphore, #tpu.memory_space<semaphore_mem>>) src(%dma_wait3A_6 : memref<10240x128xf32, #tpu.memory_space<hbm>>) dst(%arg6 : memref<320x128xf32, #tpu.memory_space<vmem>>)
    "tpu.region"() ({
      %run_scoped3A = tpu.sem_alloc : memref<!tpu.dma_semaphore, #tpu.memory_space<semaphore_mem>>
      %dma_start3A_7 = arith.constant 0 : i32
      %dma_start3A_8 = tpu.memref_slice %arg4[%mul3A_2, %dma_start3A_7] : memref<10240x128xf32, #tpu.memory_space<hbm>> -> memref<320x128xf32, #tpu.memory_space<hbm>>
      %dma_start3A_9 = arith.constant 0 : i32
      %dma_start3A_10 = tpu.memref_slice %arg4[%mul3A_2, %dma_start3A_9] : memref<10240x128xf32, #tpu.memory_space<hbm>> -> memref<320x128xf32, #tpu.memory_space<hbm>>
      tpu.enqueue_dma source(%arg6 : memref<320x128xf32, #tpu.memory_space<vmem>>) target(%dma_start3A_10 : memref<320x128xf32, #tpu.memory_space<hbm>>) target_semaphore(%run_scoped3A : memref<!tpu.dma_semaphore, #tpu.memory_space<semaphore_mem>>)
      %dma_wait3A_11 = arith.constant 0 : i32
      %dma_wait3A_12 = tpu.memref_slice %arg4[%mul3A_2, %dma_wait3A_11] : memref<10240x128xf32, #tpu.memory_space<hbm>> -> memref<320x128xf32, #tpu.memory_space<hbm>>
      %dma_wait3A_13 = arith.constant 0 : i32
      %dma_wait3A_14 = tpu.memref_slice %arg4[%mul3A_2, %dma_wait3A_13] : memref<10240x128xf32, #tpu.memory_space<hbm>> -> memref<320x128xf32, #tpu.memory_space<hbm>>
      tpu.wait_dma2 semaphore(%run_scoped3A : memref<!tpu.dma_semaphore, #tpu.memory_space<semaphore_mem>>) src(%arg6 : memref<320x128xf32, #tpu.memory_space<vmem>>) dst(%dma_wait3A_14 : memref<320x128xf32, #tpu.memory_space<hbm>>)
      tpu.yield
    }) : () -> ()
    return
  }
}

#map = affine_map<(d0, d1) -> (0, 0)>
#map1 = affine_map<(d0, d1) -> (0)>
module attributes {stable_mosaic.version = 14 : i64} {
  func.func @k(%arg0: i32, %arg1: i32, %arg2: memref<10000x128xf32, #tpu.memory_space<hbm>>, %arg3: memref<10240xi32, #tpu.memory_space<hbm>>, %arg4: memref<10240x128xf32, #tpu.memory_space<hbm>>, %arg5: memref<320xi32, #tpu.memory_space<vmem>>, %arg6: memref<320x128xf32, #tpu.memory_space<vmem>>, %arg7: memref<!tpu.dma_semaphore, #tpu.memory_space<semaphore_mem>>) attributes {dimension_semantics = [#tpu.dimension_semantics<core_parallel>, #tpu.dimension_semantics<subcore_parallel>], iteration_bounds = array<i64: 2, 16>, scalar_prefetch = 0 : i64, scratch_operands = 3 : i64, tpu.core_type = #tpu.core_type<sc_vector_subcore>, window_params = [{transform_indices = #map}, {transform_indices = #map1}, {transform_indices = #map}]} {
    %mul3A = arith.constant 2 : i32
    %mul3A_0 = arith.muli %arg1, %mul3A : i32
    %add3A = arith.addi %mul3A_0, %arg0 : i32
    %mul3A_1 = arith.constant 320 : i32
    %mul3A_2 = arith.muli %add3A, %mul3A_1 : i32
    "tpu.region"() ({
      %run_scoped3A = tpu.sem_alloc : memref<!tpu.dma_semaphore, #tpu.memory_space<semaphore_mem>>
      %dma_start3A_7 = tpu.memref_slice %arg3[%mul3A_2] : memref<10240xi32, #tpu.memory_space<hbm>> -> memref<320xi32, #tpu.memory_space<hbm>>
      %dma_start3A_8 = tpu.memref_slice %arg3[%mul3A_2] : memref<10240xi32, #tpu.memory_space<hbm>> -> memref<320xi32, #tpu.memory_space<hbm>>
      tpu.enqueue_dma source(%dma_start3A_8 : memref<320xi32, #tpu.memory_space<hbm>>) target(%arg5 : memref<320xi32, #tpu.memory_space<vmem>>) target_semaphore(%run_scoped3A : memref<!tpu.dma_semaphore, #tpu.memory_space<semaphore_mem>>)
      %dma_wait3A_9 = tpu.memref_slice %arg3[%mul3A_2] : memref<10240xi32, #tpu.memory_space<hbm>> -> memref<320xi32, #tpu.memory_space<hbm>>
      %dma_wait3A_10 = tpu.memref_slice %arg3[%mul3A_2] : memref<10240xi32, #tpu.memory_space<hbm>> -> memref<320xi32, #tpu.memory_space<hbm>>
      tpu.wait_dma2 semaphore(%run_scoped3A : memref<!tpu.dma_semaphore, #tpu.memory_space<semaphore_mem>>) src(%dma_wait3A_10 : memref<320xi32, #tpu.memory_space<hbm>>) dst(%arg5 : memref<320xi32, #tpu.memory_space<vmem>>)
      tpu.yield
    }) : () -> ()
    %dma_start3A = arith.constant 0 : i32
    %dma_start3A_3 = arith.constant 0 : i32
    %dma_start3A_4 = tpu.memref_slice %arg2[%dma_start3A, %dma_start3A_3] : memref<10000x128xf32, #tpu.memory_space<hbm>> -> memref<10000x128xf32, #tpu.memory_space<hbm>>
    tpu.enqueue_indirect_dma source(%dma_start3A_4 : memref<10000x128xf32, #tpu.memory_space<hbm>>) target(%arg6 : memref<320x128xf32, #tpu.memory_space<vmem>>) offsets(%arg5 : memref<320xi32, #tpu.memory_space<vmem>>) semaphore(%arg7 : memref<!tpu.dma_semaphore, #tpu.memory_space<semaphore_mem>>)
    %dma_wait3A = arith.constant 0 : i32
    %dma_wait3A_5 = arith.constant 0 : i32
    %dma_wait3A_6 = tpu.memref_slice %arg2[%dma_wait3A, %dma_wait3A_5] : memref<10000x128xf32, #tpu.memory_space<hbm>> -> memref<10000x128xf32, #tpu.memory_space<hbm>>
    tpu.wait_indirect_dma semaphore(%arg7 : memref<!tpu.dma_semaphore, #tpu.memory_space<semaphore_mem>>) src(%dma_wait3A_6 : memref<10000x128xf32, #tpu.memory_space<hbm>>) dst(%arg6 : memref<320x128xf32, #tpu.memory_space<vmem>>)
    "tpu.region"() ({
      %run_scoped3A = tpu.sem_alloc : memref<!tpu.dma_semaphore, #tpu.memory_space<semaphore_mem>>
      %dma_start3A_7 = arith.constant 0 : i32
      %dma_start3A_8 = tpu.memref_slice %arg4[%mul3A_2, %dma_start3A_7] : memref<10240x128xf32, #tpu.memory_space<hbm>> -> memref<320x128xf32, #tpu.memory_space<hbm>>
      %dma_start3A_9 = arith.constant 0 : i32
      %dma_start3A_10 = tpu.memref_slice %arg4[%mul3A_2, %dma_start3A_9] : memref<10240x128xf32, #tpu.memory_space<hbm>> -> memref<320x128xf32, #tpu.memory_space<hbm>>
      tpu.enqueue_dma source(%arg6 : memref<320x128xf32, #tpu.memory_space<vmem>>) target(%dma_start3A_10 : memref<320x128xf32, #tpu.memory_space<hbm>>) target_semaphore(%run_scoped3A : memref<!tpu.dma_semaphore, #tpu.memory_space<semaphore_mem>>)
      %dma_wait3A_11 = arith.constant 0 : i32
      %dma_wait3A_12 = tpu.memref_slice %arg4[%mul3A_2, %dma_wait3A_11] : memref<10240x128xf32, #tpu.memory_space<hbm>> -> memref<320x128xf32, #tpu.memory_space<hbm>>
      %dma_wait3A_13 = arith.constant 0 : i32
      %dma_wait3A_14 = tpu.memref_slice %arg4[%mul3A_2, %dma_wait3A_13] : memref<10240x128xf32, #tpu.memory_space<hbm>> -> memref<320x128xf32, #tpu.memory_space<hbm>>
      tpu.wait_dma2 semaphore(%run_scoped3A : memref<!tpu.dma_semaphore, #tpu.memory_space<semaphore_mem>>) src(%arg6 : memref<320x128xf32, #tpu.memory_space<vmem>>) dst(%dma_wait3A_14 : memref<320x128xf32, #tpu.memory_space<hbm>>)
      tpu.yield
    }) : () -> ()
    return
  }
}

module attributes {stable_mosaic.version = 14 : i64} {
  func.func @_cc_body(%arg0: i32, %arg1: memref<128x128xf32, #tpu.memory_space<vmem>>, %arg2: memref<128x128xf32, #tpu.memory_space<vmem>>, %arg3: memref<128x128xf32, #tpu.memory_space<vmem>>) attributes {dimension_semantics = [#tpu.dimension_semantics<arbitrary>], iteration_bounds = array<i64: 80>, scalar_prefetch = 0 : i64, scratch_operands = 0 : i64, tpu.core_type = #tpu.core_type<tc>, window_params = [{transform_indices = @transform_0, window_bounds = array<i64: 128, 128>}, {pipeline_mode = #tpu.pipeline_mode<synchronous>, transform_indices = @transform_1, window_bounds = array<i64: 128, 128>}, {transform_indices = @transform_2, window_bounds = array<i64: 128, 128>}]} {
    %get3A = arith.constant 0 : index
    %get3A_0 = arith.constant 0 : index
    %get3A_1 = vector.load %arg1[%get3A, %get3A_0] : memref<128x128xf32, #tpu.memory_space<vmem>>, vector<128x128xf32>
    %get3A_2 = arith.constant 0 : index
    %get3A_3 = arith.constant 0 : index
    %get3A_4 = vector.load %arg2[%get3A_2, %get3A_3] : memref<128x128xf32, #tpu.memory_space<vmem>>, vector<128x128xf32>
    %dot_general3A = arith.constant dense<0.000000e+00> : vector<128x128xf32>
    %dot_general3A_5 = tpu.matmul %get3A_1, %get3A_4, %dot_general3A {dimension_numbers = #tpu.dot_dimension_numbers<[1], [0], [0], [1], [0, 0, 1, 1], [], []>, transpose_lhs_hint = false} : vector<128x128xf32>, vector<128x128xf32>, vector<128x128xf32> -> vector<128x128xf32>
    %swap3A = arith.constant 0 : index
    %swap3A_6 = arith.constant 0 : index
    %swap3A_7 = vector.load %arg3[%swap3A, %swap3A_6] : memref<128x128xf32, #tpu.memory_space<vmem>>, vector<128x128xf32>
    tpu.vector_store %arg3[%swap3A, %swap3A_6], %dot_general3A_5 {strides = array<i32>} : memref<128x128xf32, #tpu.memory_space<vmem>>, vector<128x128xf32>,
    return
  }
  func.func @transform_0(%arg0: i32) -> (i32, i32) {
    %c0_i32 = arith.constant 0 : i32
    %c0_i32_0 = arith.constant 0 : i32
    return %arg0, %c0_i32 : i32, i32
  }
  func.func @transform_1(%arg0: i32) -> (i32, i32) {
    %c0_i32 = arith.constant 0 : i32
    %c0_i32_0 = arith.constant 0 : i32
    %c0_i32_1 = arith.constant 0 : i32
    return %c0_i32, %c0_i32_0 : i32, i32
  }
  func.func @transform_2(%arg0: i32) -> (i32, i32) {
    %c0_i32 = arith.constant 0 : i32
    %c0_i32_0 = arith.constant 0 : i32
    return %arg0, %c0_i32 : i32, i32
  }
}

module attributes {stable_mosaic.version = 14 : i64} {
  func.func @_fused_body(%arg0: i32, %arg1: memref<1x80xi32, #tpu.memory_space<smem>>, %arg2: memref<80x80xi32, #tpu.memory_space<smem>>, %arg3: memref<1x1xf32, #tpu.memory_space<smem>>, %arg4: memref<128x128xf32, #tpu.memory_space<vmem>>, %arg5: memref<128x2xf32, #tpu.memory_space<vmem>>, %arg6: memref<10240x2xf32, #tpu.memory_space<vmem>>, %arg7: memref<10240x128xf32, #tpu.memory_space<vmem>>, %arg8: memref<128x128xf32, #tpu.memory_space<vmem>>, %arg9: memref<1x128xf32, #tpu.memory_space<vmem>>, %arg10: memref<1x128xf32, #tpu.memory_space<vmem>>, %arg11: memref<128x128xf32, #tpu.memory_space<vmem>>, %arg12: memref<2x128xf32, #tpu.memory_space<vmem>>, %arg13: memref<1x128xf32, #tpu.memory_space<vmem>>, %arg14: memref<128x128xf32, #tpu.memory_space<vmem>>, %arg15: memref<1x128xf32, #tpu.memory_space<vmem>>, %arg16: memref<1x128xf32, #tpu.memory_space<vmem>>, %arg17: memref<128x128xf32, #tpu.memory_space<vmem>>, %arg18: memref<1x128xf32, #tpu.memory_space<vmem>>, %arg19: memref<1x128xf32, #tpu.memory_space<vmem>>, %arg20: memref<128x128xf32, #tpu.memory_space<vmem>>, %arg21: memref<128x128xf32, #tpu.memory_space<vmem>>, %arg22: memref<1x128xf32, #tpu.memory_space<vmem>>, %arg23: memref<1x128xf32, #tpu.memory_space<vmem>>, %arg24: memref<128x128xf32, #tpu.memory_space<vmem>>, %arg25: memref<1x128xf32, #tpu.memory_space<vmem>>, %arg26: memref<1x128xf32, #tpu.memory_space<vmem>>, %arg27: memref<128x128xf32, #tpu.memory_space<vmem>>) attributes {dimension_semantics = [#tpu.dimension_semantics<arbitrary>], iteration_bounds = array<i64: 80>, scalar_prefetch = 0 : i64, scratch_operands = 0 : i64, tpu.core_type = #tpu.core_type<tc>, window_params = [{transform_indices = @transform_0, window_bounds = array<i64: 1, 80>}, {transform_indices = @transform_1, window_bounds = array<i64: 80, 80>}, {transform_indices = @transform_2, window_bounds = array<i64: 1, 1>}, {transform_indices = @transform_3, window_bounds = array<i64: 128, 128>}, {transform_indices = @transform_4, window_bounds = array<i64: 128, 2>}, {pipeline_mode = #tpu.pipeline_mode<synchronous>, transform_indices = @transform_5, window_bounds = array<i64: 10240, 2>}, {pipeline_mode = #tpu.pipeline_mode<synchronous>, transform_indices = @transform_6, window_bounds = array<i64: 10240, 128>}, {pipeline_mode = #tpu.pipeline_mode<synchronous>, transform_indices = @transform_7, window_bounds = array<i64: 128, 128>}, {pipeline_mode = #tpu.pipeline_mode<synchronous>, transform_indices = @transform_8, window_bounds = array<i64: 1, 128>}, {pipeline_mode = #tpu.pipeline_mode<synchronous>, transform_indices = @transform_9, window_bounds = array<i64: 1, 128>}, {pipeline_mode = #tpu.pipeline_mode<synchronous>, transform_indices = @transform_10, window_bounds = array<i64: 128, 128>}, {pipeline_mode = #tpu.pipeline_mode<synchronous>, transform_indices = @transform_11, window_bounds = array<i64: 2, 128>}, {pipeline_mode = #tpu.pipeline_mode<synchronous>, transform_indices = @transform_12, window_bounds = array<i64: 1, 128>}, {pipeline_mode = #tpu.pipeline_mode<synchronous>, transform_indices = @transform_13, window_bounds = array<i64: 128, 128>}, {pipeline_mode = #tpu.pipeline_mode<synchronous>, transform_indices = @transform_14, window_bounds = array<i64: 1, 128>}, {pipeline_mode = #tpu.pipeline_mode<synchronous>, transform_indices = @transform_15, window_bounds = array<i64: 1, 128>}, {pipeline_mode = #tpu.pipeline_mode<synchronous>, transform_indices = @transform_16, window_bounds = array<i64: 128, 128>}, {pipeline_mode = #tpu.pipeline_mode<synchronous>, transform_indices = @transform_17, window_bounds = array<i64: 1, 128>}, {pipeline_mode = #tpu.pipeline_mode<synchronous>, transform_indices = @transform_18, window_bounds = array<i64: 1, 128>}, {pipeline_mode = #tpu.pipeline_mode<synchronous>, transform_indices = @transform_19, window_bounds = array<i64: 128, 128>}, {pipeline_mode = #tpu.pipeline_mode<synchronous>, transform_indices = @transform_20, window_bounds = array<i64: 128, 128>}, {pipeline_mode = #tpu.pipeline_mode<synchronous>, transform_indices = @transform_21, window_bounds = array<i64: 1, 128>}, {pipeline_mode = #tpu.pipeline_mode<synchronous>, transform_indices = @transform_22, window_bounds = array<i64: 1, 128>}, {pipeline_mode = #tpu.pipeline_mode<synchronous>, transform_indices = @transform_23, window_bounds = array<i64: 128, 128>}, {pipeline_mode = #tpu.pipeline_mode<synchronous>, transform_indices = @transform_24, window_bounds = array<i64: 1, 128>}, {pipeline_mode = #tpu.pipeline_mode<synchronous>, transform_indices = @transform_25, window_bounds = array<i64: 1, 128>}, {transform_indices = @transform_26, window_bounds = array<i64: 128, 128>}]} {
    %get3A = arith.constant 0 : index
    %get3A_0 = arith.constant 0 : index
    %get3A_1 = vector.load %arg4[%get3A, %get3A_0] : memref<128x128xf32, #tpu.memory_space<vmem>>, vector<128x128xf32>
    %get3A_2 = arith.constant 0 : index
    %get3A_3 = arith.constant 0 : index
    %get3A_4 = vector.load %arg8[%get3A_2, %get3A_3] : memref<128x128xf32, #tpu.memory_space<vmem>>, vector<128x128xf32>
    %dot_general3A = arith.constant dense<0.000000e+00> : vector<128x128xf32>
    %dot_general3A_5 = tpu.matmul %get3A_1, %get3A_4, %dot_general3A {dimension_numbers = #tpu.dot_dimension_numbers<[1], [0], [0], [1], [0, 0, 1, 1], [], []>, transpose_lhs_hint = false} : vector<128x128xf32>, vector<128x128xf32>, vector<128x128xf32> -> vector<128x128xf32>
    %get3A_6 = arith.constant 0 : index
    %get3A_7 = arith.constant 0 : index
    %get3A_8 = vector.load %arg9[%get3A_6, %get3A_7] : memref<1x128xf32, #tpu.memory_space<vmem>>, vector<1x128xf32>
    %get3A_9 = arith.constant 0 : index
    %get3A_10 = arith.constant 0 : index
    %get3A_11 = vector.load %arg10[%get3A_9, %get3A_10] : memref<1x128xf32, #tpu.memory_space<vmem>>, vector<1x128xf32>
    %reduce_sum3A = arith.constant dense<0.000000e+00> : vector<128xf32>
    %reduce_sum3A_12 = vector.multi_reduction <add>, %dot_general3A_5, %reduce_sum3A [1] : vector<128x128xf32> to vector<128xf32>
    %broadcast_in_dim3A = vector.shape_cast %reduce_sum3A_12 : vector<128xf32> to vector<128x1xf32>
    %div3A = arith.constant 1.280000e+02 : f32
    %div3A_13 = vector.broadcast %div3A : f32 to vector<128x1xf32>
    %div3A_14 = arith.divf %broadcast_in_dim3A, %div3A_13 : vector<128x1xf32>
    %sub3A = vector.broadcast %div3A_14 : vector<128x1xf32> to vector<128x128xf32>
    %sub3A_15 = arith.subf %dot_general3A_5, %sub3A : vector<128x128xf32>
    %mul3A = arith.mulf %sub3A_15, %sub3A_15 : vector<128x128xf32>
    %reduce_sum3A_16 = arith.constant dense<0.000000e+00> : vector<128xf32>
    %reduce_sum3A_17 = vector.multi_reduction <add>, %mul3A, %reduce_sum3A_16 [1] : vector<128x128xf32> to vector<128xf32>
    %broadcast_in_dim3A_18 = vector.shape_cast %reduce_sum3A_17 : vector<128xf32> to vector<128x1xf32>
    %div3A_19 = arith.constant 1.280000e+02 : f32
    %div3A_20 = vector.broadcast %div3A_19 : f32 to vector<128x1xf32>
    %div3A_21 = arith.divf %broadcast_in_dim3A_18, %div3A_20 : vector<128x1xf32>
    %add3A = arith.constant 9.99999974E-6 : f32
    %add3A_22 = vector.broadcast %add3A : f32 to vector<128x1xf32>
    %add3A_23 = arith.addf %div3A_21, %add3A_22 : vector<128x1xf32>
    %rsqrt3A = math.rsqrt %add3A_23 : vector<128x1xf32>
    %mul3A_24 = vector.broadcast %rsqrt3A : vector<128x1xf32> to vector<128x128xf32>
    %mul3A_25 = arith.mulf %sub3A_15, %mul3A_24 : vector<128x128xf32>
    %mul3A_26 = vector.broadcast %get3A_8 : vector<1x128xf32> to vector<128x128xf32>
    %mul3A_27 = arith.mulf %mul3A_25, %mul3A_26 : vector<128x128xf32>
    %add3A_28 = vector.broadcast %get3A_11 : vector<1x128xf32> to vector<128x128xf32>
    %add3A_29 = arith.addf %mul3A_27, %add3A_28 : vector<128x128xf32>
    %max3A = arith.constant 0.000000e+00 : f32
    %max3A_30 = vector.broadcast %max3A : f32 to vector<128x128xf32>
    %max3A_31 = arith.maximumf %add3A_29, %max3A_30 : vector<128x128xf32>
    %get3A_32 = arith.constant 0 : index
    %get3A_33 = arith.constant 0 : index
    %get3A_34 = vector.load %arg11[%get3A_32, %get3A_33] : memref<128x128xf32, #tpu.memory_space<vmem>>, vector<128x128xf32>
    %dot_general3A_35 = arith.constant dense<0.000000e+00> : vector<128x128xf32>
    %dot_general3A_36 = tpu.matmul %max3A_31, %get3A_34, %dot_general3A_35 {dimension_numbers = #tpu.dot_dimension_numbers<[1], [0], [0], [1], [0, 0, 1, 1], [], []>, transpose_lhs_hint = false} : vector<128x128xf32>, vector<128x128xf32>, vector<128x128xf32> -> vector<128x128xf32>
    %reshape3A = vector.shape_cast %dot_general3A_36 : vector<128x128xf32> to vector<128x1x128xf32>
    %get3A_37 = arith.constant 0 : index
    %get3A_38 = arith.constant 0 : index
    %get3A_39 = vector.load %arg5[%get3A_37, %get3A_38] : memref<128x2xf32, #tpu.memory_space<vmem>>, vector<128x2xf32>
    %slice3A = vector.extract_strided_slice %get3A_39 {offsets = [0, 0], sizes = [128, 1], strides = [1, 1]} : vector<128x2xf32> to vector<128x1xf32>
    %broadcast_in_dim3A_40 = vector.shape_cast %slice3A : vector<128x1xf32> to vector<128x1xf32>
    %broadcast_in_dim3A_41 = vector.broadcast %broadcast_in_dim3A_40 : vector<128x1xf32> to vector<128x128xf32>
    %reshape3A_42 = vector.shape_cast %broadcast_in_dim3A_41 : vector<128x128xf32> to vector<128x1x128xf32>
    %slice3A_43 = vector.extract_strided_slice %get3A_39 {offsets = [0, 1], sizes = [128, 1], strides = [1, 1]} : vector<128x2xf32> to vector<128x1xf32>
    %broadcast_in_dim3A_44 = vector.shape_cast %slice3A_43 : vector<128x1xf32> to vector<128x1xf32>
    %broadcast_in_dim3A_45 = vector.broadcast %broadcast_in_dim3A_44 : vector<128x1xf32> to vector<128x128xf32>
    %reshape3A_46 = vector.shape_cast %broadcast_in_dim3A_45 : vector<128x128xf32> to vector<128x1x128xf32>
    %mul3A_47 = arith.mulf %reshape3A_42, %reshape3A_42 : vector<128x1x128xf32>
    %mul3A_48 = arith.mulf %reshape3A_46, %reshape3A_46 : vector<128x1x128xf32>
    %add3A_49 = arith.addf %mul3A_47, %mul3A_48 : vector<128x1x128xf32>
    %convert_element_type3A = arith.truncf %reshape3A_42 : vector<128x1x128xf32> to vector<128x1x128xbf16>
    %convert_element_type3A_50 = arith.extf %convert_element_type3A : vector<128x1x128xbf16> to vector<128x1x128xf32>
    %convert_element_type3A_51 = arith.truncf %reshape3A_46 : vector<128x1x128xf32> to vector<128x1x128xbf16>
    %convert_element_type3A_52 = arith.extf %convert_element_type3A_51 : vector<128x1x128xbf16> to vector<128x1x128xf32>
    %get3A_53 = arith.constant 0 : index
    %get3A_54 = arith.constant 0 : index
    %get3A_55 = memref.load %arg3[%get3A_53, %get3A_54] : memref<1x1xf32, #tpu.memory_space<smem>>
    %mul3A_56 = arith.mulf %get3A_55, %get3A_55 : f32
    %get3A_57 = arith.constant 0 : index
    %get3A_58 = arith.constant 0 : index
    %get3A_59 = vector.load %arg12[%get3A_57, %get3A_58] : memref<2x128xf32, #tpu.memory_space<vmem>>, vector<1x128xf32>
    %reshape3A_60 = vector.shape_cast %get3A_59 : vector<1x128xf32> to vector<1x1x128xf32>
    %get3A_61 = arith.constant 1 : index
    %get3A_62 = arith.constant 0 : index
    %get3A_63 = vector.load %arg12[%get3A_61, %get3A_62] : memref<2x128xf32, #tpu.memory_space<vmem>>, vector<1x128xf32>
    %reshape3A_64 = vector.shape_cast %get3A_63 : vector<1x128xf32> to vector<1x1x128xf32>
    %get3A_65 = arith.constant 0 : index
    %get3A_66 = arith.constant 0 : index
    %get3A_67 = vector.load %arg13[%get3A_65, %get3A_66] : memref<1x128xf32, #tpu.memory_space<vmem>>, vector<1x128xf32>
    %reshape3A_68 = vector.shape_cast %get3A_67 : vector<1x128xf32> to vector<1x1x128xf32>
    %get3A_69 = arith.constant 0 : index
    %get3A_70 = arith.constant 0 : index
    %get3A_71 = vector.load %arg18[%get3A_69, %get3A_70] : memref<1x128xf32, #tpu.memory_space<vmem>>, vector<1x128xf32>
    %reshape3A_72 = vector.shape_cast %get3A_71 : vector<1x128xf32> to vector<1x1x128xf32>
    %get3A_73 = arith.constant 0 : index
    %get3A_74 = arith.constant 0 : index
    %get3A_75 = vector.load %arg19[%get3A_73, %get3A_74] : memref<1x128xf32, #tpu.memory_space<vmem>>, vector<1x128xf32>
    %reshape3A_76 = vector.shape_cast %get3A_75 : vector<1x128xf32> to vector<1x1x128xf32>
    %iota3A = tpu.iota {dimensions = array<i32: 1>} : vector<1x128x128xi32>
    %get3A_77 = arith.constant 0 : index
    %get3A_78 = arith.index_cast %arg0 : i32 to index
    %get3A_79 = memref.load %arg1[%get3A_77, %get3A_78] : memref<1x80xi32, #tpu.memory_space<smem>>
    %broadcast_in_dim3A_80 = arith.constant 0.000000e+00 : f32
    %broadcast_in_dim3A_81 = vector.broadcast %broadcast_in_dim3A_80 : f32 to vector<128x128xf32>
    %while3A = arith.constant 0 : i32
    %while3A_82 = arith.subi %get3A_79, %while3A : i32
    %while3A_83 = arith.addi %while3A, %while3A_82 : i32
    %while3A_84 = arith.constant 1 : i32
    %while3A_85 = arith.divsi %while3A_82, %while3A_84 : i32
    %while3A_86 = arith.muli %while3A_85, %while3A_84 : i32
    %while3A_87 = arith.addi %while3A, %while3A_86 : i32
    %while3A_88 = arith.constant 1 : i32
    %while3A_89 = scf.for %while3A_179 = %while3A to %while3A_87 step %while3A_88 iter_args(%while3A_180 = %broadcast_in_dim3A_81) -> (vector<128x128xf32>)  : i32 {
      %get3A_181 = arith.index_cast %arg0 : i32 to index
      %get3A_182 = arith.index_cast %while3A_179 : i32 to index
      %get3A_183 = memref.load %arg2[%get3A_181, %get3A_182] : memref<80x80xi32, #tpu.memory_space<smem>>
      %mul3A_184 = arith.constant 128 : i32
      %mul3A_185 = arith.muli %get3A_183, %mul3A_184 : i32
      %get3A_186 = arith.index_cast %mul3A_185 : i32 to index
      %get3A_187 = arith.constant 0 : index
      %get3A_188 = vector.load %arg6[%get3A_186, %get3A_187] : memref<10240x2xf32, #tpu.memory_space<vmem>>, vector<128x2xf32>
      %slice3A_189 = vector.extract_strided_slice %get3A_188 {offsets = [0, 0], sizes = [128, 1], strides = [1, 1]} : vector<128x2xf32> to vector<128x1xf32>
      %broadcast_in_dim3A_190 = vector.shape_cast %slice3A_189 : vector<128x1xf32> to vector<128x1xf32>
      %broadcast_in_dim3A_191 = vector.broadcast %broadcast_in_dim3A_190 : vector<128x1xf32> to vector<128x128xf32>
      %reshape3A_192 = vector.shape_cast %broadcast_in_dim3A_191 : vector<128x128xf32> to vector<1x128x128xf32>
      %slice3A_193 = vector.extract_strided_slice %get3A_188 {offsets = [0, 1], sizes = [128, 1], strides = [1, 1]} : vector<128x2xf32> to vector<128x1xf32>
      %broadcast_in_dim3A_194 = vector.shape_cast %slice3A_193 : vector<128x1xf32> to vector<128x1xf32>
      %broadcast_in_dim3A_195 = vector.broadcast %broadcast_in_dim3A_194 : vector<128x1xf32> to vector<128x128xf32>
      %reshape3A_196 = vector.shape_cast %broadcast_in_dim3A_195 : vector<128x128xf32> to vector<1x128x128xf32>
      %mul3A_197 = arith.mulf %reshape3A_192, %reshape3A_192 : vector<1x128x128xf32>
      %mul3A_198 = arith.mulf %reshape3A_196, %reshape3A_196 : vector<1x128x128xf32>
      %add3A_199 = arith.addf %mul3A_197, %mul3A_198 : vector<1x128x128xf32>
      %convert_element_type3A_200 = arith.truncf %reshape3A_192 : vector<1x128x128xf32> to vector<1x128x128xbf16>
      %convert_element_type3A_201 = arith.extf %convert_element_type3A_200 : vector<1x128x128xbf16> to vector<1x128x128xf32>
      %convert_element_type3A_202 = arith.truncf %reshape3A_196 : vector<1x128x128xf32> to vector<1x128x128xbf16>
      %convert_element_type3A_203 = arith.extf %convert_element_type3A_202 : vector<1x128x128xbf16> to vector<1x128x128xf32>
      %add3A_204 = vector.broadcast %add3A_49 : vector<128x1x128xf32> to vector<128x128x128xf32>
      %add3A_205 = vector.broadcast %add3A_199 : vector<1x128x128xf32> to vector<128x128x128xf32>
      %add3A_206 = arith.addf %add3A_204, %add3A_205 : vector<128x128x128xf32>
      %mul3A_207 = vector.broadcast %convert_element_type3A_50 : vector<128x1x128xf32> to vector<128x128x128xf32>
      %mul3A_208 = vector.broadcast %convert_element_type3A_201 : vector<1x128x128xf32> to vector<128x128x128xf32>
      %mul3A_209 = arith.mulf %mul3A_207, %mul3A_208 : vector<128x128x128xf32>
      %mul3A_210 = vector.broadcast %convert_element_type3A_52 : vector<128x1x128xf32> to vector<128x128x128xf32>
      %mul3A_211 = vector.broadcast %convert_element_type3A_203 : vector<1x128x128xf32> to vector<128x128x128xf32>
      %mul3A_212 = arith.mulf %mul3A_210, %mul3A_211 : vector<128x128x128xf32>
      %add3A_213 = arith.addf %mul3A_209, %mul3A_212 : vector<128x128x128xf32>
      %mul3A_214 = arith.constant 2.000000e+00 : f32
      %mul3A_215 = vector.broadcast %mul3A_214 : f32 to vector<128x128x128xf32>
      %mul3A_216 = arith.mulf %mul3A_215, %add3A_213 : vector<128x128x128xf32>
      %sub3A_217 = arith.subf %add3A_206, %mul3A_216 : vector<128x128x128xf32>
      %le3A = vector.broadcast %mul3A_56 : f32 to vector<128x128x128xf32>
      %le3A_218 = arith.cmpf ole, %sub3A_217, %le3A : vector<128x128x128xf32>
      %add3A_219 = vector.broadcast %mul3A_185 : i32 to vector<1x128x128xi32>
      %add3A_220 = arith.addi %iota3A, %add3A_219 : vector<1x128x128xi32>
      %lt3A = arith.constant 10000 : i32
      %lt3A_221 = vector.broadcast %lt3A : i32 to vector<1x128x128xi32>
      %lt3A_222 = arith.cmpi slt, %add3A_220, %lt3A_221 : vector<1x128x128xi32>
      %and3A = vector.broadcast %lt3A_222 : vector<1x128x128xi1> to vector<128x128x128xi1>
      %and3A_223 = arith.andi %le3A_218, %and3A : vector<128x128x128xi1>
      %sub3A_224 = vector.broadcast %reshape3A_42 : vector<128x1x128xf32> to vector<128x128x128xf32>
      %sub3A_225 = vector.broadcast %reshape3A_192 : vector<1x128x128xf32> to vector<128x128x128xf32>
      %sub3A_226 = arith.subf %sub3A_224, %sub3A_225 : vector<128x128x128xf32>
      %sub3A_227 = vector.broadcast %reshape3A_46 : vector<128x1x128xf32> to vector<128x128x128xf32>
      %sub3A_228 = vector.broadcast %reshape3A_196 : vector<1x128x128xf32> to vector<128x128x128xf32>
      %sub3A_229 = arith.subf %sub3A_227, %sub3A_228 : vector<128x128x128xf32>
      %mul3A_230 = vector.broadcast %reshape3A_60 : vector<1x1x128xf32> to vector<128x128x128xf32>
      %mul3A_231 = arith.mulf %sub3A_226, %mul3A_230 : vector<128x128x128xf32>
      %mul3A_232 = vector.broadcast %reshape3A_64 : vector<1x1x128xf32> to vector<128x128x128xf32>
      %mul3A_233 = arith.mulf %sub3A_229, %mul3A_232 : vector<128x128x128xf32>
      %add3A_234 = arith.addf %mul3A_231, %mul3A_233 : vector<128x128x128xf32>
      %add3A_235 = vector.broadcast %reshape3A_68 : vector<1x1x128xf32> to vector<128x128x128xf32>
      %add3A_236 = arith.addf %add3A_234, %add3A_235 : vector<128x128x128xf32>
      %max3A_237 = arith.constant 0.000000e+00 : f32
      %max3A_238 = vector.broadcast %max3A_237 : f32 to vector<128x128x128xf32>
      %max3A_239 = arith.maximumf %add3A_236, %max3A_238 : vector<128x128x128xf32>
      %reshape3A_240 = vector.shape_cast %max3A_239 : vector<128x128x128xf32> to vector<16384x128xf32>
      %get3A_241 = arith.constant 0 : index
      %get3A_242 = arith.constant 0 : index
      %get3A_243 = vector.load %arg14[%get3A_241, %get3A_242] : memref<128x128xf32, #tpu.memory_space<vmem>>, vector<128x128xf32>
      %dot_general3A_244 = arith.constant dense<0.000000e+00> : vector<16384x128xf32>
      %dot_general3A_245 = tpu.matmul %reshape3A_240, %get3A_243, %dot_general3A_244 {dimension_numbers = #tpu.dot_dimension_numbers<[1], [0], [0], [1], [0, 0, 1, 1], [], []>, transpose_lhs_hint = false} : vector<16384x128xf32>, vector<128x128xf32>, vector<16384x128xf32> -> vector<16384x128xf32>
      %get3A_246 = arith.constant 0 : index
      %get3A_247 = arith.constant 0 : index
      %get3A_248 = vector.load %arg15[%get3A_246, %get3A_247] : memref<1x128xf32, #tpu.memory_space<vmem>>, vector<1x128xf32>
      %get3A_249 = arith.constant 0 : index
      %get3A_250 = arith.constant 0 : index
      %get3A_251 = vector.load %arg16[%get3A_249, %get3A_250] : memref<1x128xf32, #tpu.memory_space<vmem>>, vector<1x128xf32>
      %reduce_sum3A_252 = arith.constant dense<0.000000e+00> : vector<16384xf32>
      %reduce_sum3A_253 = vector.multi_reduction <add>, %dot_general3A_245, %reduce_sum3A_252 [1] : vector<16384x128xf32> to vector<16384xf32>
      %broadcast_in_dim3A_254 = vector.shape_cast %reduce_sum3A_253 : vector<16384xf32> to vector<16384x1xf32>
      %div3A_255 = arith.constant 1.280000e+02 : f32
      %div3A_256 = vector.broadcast %div3A_255 : f32 to vector<16384x1xf32>
      %div3A_257 = arith.divf %broadcast_in_dim3A_254, %div3A_256 : vector<16384x1xf32>
      %sub3A_258 = vector.broadcast %div3A_257 : vector<16384x1xf32> to vector<16384x128xf32>
      %sub3A_259 = arith.subf %dot_general3A_245, %sub3A_258 : vector<16384x128xf32>
      %mul3A_260 = arith.mulf %sub3A_259, %sub3A_259 : vector<16384x128xf32>
      %reduce_sum3A_261 = arith.constant dense<0.000000e+00> : vector<16384xf32>
      %reduce_sum3A_262 = vector.multi_reduction <add>, %mul3A_260, %reduce_sum3A_261 [1] : vector<16384x128xf32> to vector<16384xf32>
      %broadcast_in_dim3A_263 = vector.shape_cast %reduce_sum3A_262 : vector<16384xf32> to vector<16384x1xf32>
      %div3A_264 = arith.constant 1.280000e+02 : f32
      %div3A_265 = vector.broadcast %div3A_264 : f32 to vector<16384x1xf32>
      %div3A_266 = arith.divf %broadcast_in_dim3A_263, %div3A_265 : vector<16384x1xf32>
      %add3A_267 = arith.constant 9.99999974E-6 : f32
      %add3A_268 = vector.broadcast %add3A_267 : f32 to vector<16384x1xf32>
      %add3A_269 = arith.addf %div3A_266, %add3A_268 : vector<16384x1xf32>
      %rsqrt3A_270 = math.rsqrt %add3A_269 : vector<16384x1xf32>
      %mul3A_271 = vector.broadcast %rsqrt3A_270 : vector<16384x1xf32> to vector<16384x128xf32>
      %mul3A_272 = arith.mulf %sub3A_259, %mul3A_271 : vector<16384x128xf32>
      %mul3A_273 = vector.broadcast %get3A_248 : vector<1x128xf32> to vector<16384x128xf32>
      %mul3A_274 = arith.mulf %mul3A_272, %mul3A_273 : vector<16384x128xf32>
      %add3A_275 = vector.broadcast %get3A_251 : vector<1x128xf32> to vector<16384x128xf32>
      %add3A_276 = arith.addf %mul3A_274, %add3A_275 : vector<16384x128xf32>
      %max3A_277 = arith.constant 0.000000e+00 : f32
      %max3A_278 = vector.broadcast %max3A_277 : f32 to vector<16384x128xf32>
      %max3A_279 = arith.maximumf %add3A_276, %max3A_278 : vector<16384x128xf32>
      %get3A_280 = arith.constant 0 : index
      %get3A_281 = arith.constant 0 : index
      %get3A_282 = vector.load %arg17[%get3A_280, %get3A_281] : memref<128x128xf32, #tpu.memory_space<vmem>>, vector<128x128xf32>
      %dot_general3A_283 = arith.constant dense<0.000000e+00> : vector<16384x128xf32>
      %dot_general3A_284 = tpu.matmul %max3A_279, %get3A_282, %dot_general3A_283 {dimension_numbers = #tpu.dot_dimension_numbers<[1], [0], [0], [1], [0, 0, 1, 1], [], []>, transpose_lhs_hint = false} : vector<16384x128xf32>, vector<128x128xf32>, vector<16384x128xf32> -> vector<16384x128xf32>
      %get3A_285 = arith.index_cast %mul3A_185 : i32 to index
      %get3A_286 = arith.constant 0 : index
      %get3A_287 = vector.load %arg7[%get3A_285, %get3A_286] : memref<10240x128xf32, #tpu.memory_space<vmem>>, vector<128x128xf32>
      %reshape3A_288 = vector.shape_cast %get3A_287 : vector<128x128xf32> to vector<1x128x128xf32>
      %reshape3A_289 = vector.shape_cast %dot_general3A_284 : vector<16384x128xf32> to vector<128x128x128xf32>
      %add3A_290 = vector.broadcast %reshape3A : vector<128x1x128xf32> to vector<128x128x128xf32>
      %add3A_291 = arith.addf %reshape3A_289, %add3A_290 : vector<128x128x128xf32>
      %add3A_292 = vector.broadcast %reshape3A_288 : vector<1x128x128xf32> to vector<128x128x128xf32>
      %add3A_293 = arith.addf %add3A_291, %add3A_292 : vector<128x128x128xf32>
      %reduce_sum3A_294 = arith.constant dense<0.000000e+00> : vector<128x128xf32>
      %reduce_sum3A_295 = vector.multi_reduction <add>, %add3A_293, %reduce_sum3A_294 [2] : vector<128x128x128xf32> to vector<128x128xf32>
      %broadcast_in_dim3A_296 = vector.shape_cast %reduce_sum3A_295 : vector<128x128xf32> to vector<128x128x1xf32>
      %div3A_297 = arith.constant 1.280000e+02 : f32
      %div3A_298 = vector.broadcast %div3A_297 : f32 to vector<128x128x1xf32>
      %div3A_299 = arith.divf %broadcast_in_dim3A_296, %div3A_298 : vector<128x128x1xf32>
      %sub3A_300 = vector.broadcast %div3A_299 : vector<128x128x1xf32> to vector<128x128x128xf32>
      %sub3A_301 = arith.subf %add3A_293, %sub3A_300 : vector<128x128x128xf32>
      %mul3A_302 = arith.mulf %sub3A_301, %sub3A_301 : vector<128x128x128xf32>
      %reduce_sum3A_303 = arith.constant dense<0.000000e+00> : vector<128x128xf32>
      %reduce_sum3A_304 = vector.multi_reduction <add>, %mul3A_302, %reduce_sum3A_303 [2] : vector<128x128x128xf32> to vector<128x128xf32>
      %broadcast_in_dim3A_305 = vector.shape_cast %reduce_sum3A_304 : vector<128x128xf32> to vector<128x128x1xf32>
      %div3A_306 = arith.constant 1.280000e+02 : f32
      %div3A_307 = vector.broadcast %div3A_306 : f32 to vector<128x128x1xf32>
      %div3A_308 = arith.divf %broadcast_in_dim3A_305, %div3A_307 : vector<128x128x1xf32>
      %add3A_309 = arith.constant 9.99999974E-6 : f32
      %add3A_310 = vector.broadcast %add3A_309 : f32 to vector<128x128x1xf32>
      %add3A_311 = arith.addf %div3A_308, %add3A_310 : vector<128x128x1xf32>
      %rsqrt3A_312 = math.rsqrt %add3A_311 : vector<128x128x1xf32>
      %mul3A_313 = vector.broadcast %rsqrt3A_312 : vector<128x128x1xf32> to vector<128x128x128xf32>
      %mul3A_314 = arith.mulf %sub3A_301, %mul3A_313 : vector<128x128x128xf32>
      %mul3A_315 = vector.broadcast %reshape3A_72 : vector<1x1x128xf32> to vector<128x128x128xf32>
      %mul3A_316 = arith.mulf %mul3A_314, %mul3A_315 : vector<128x128x128xf32>
      %add3A_317 = vector.broadcast %reshape3A_76 : vector<1x1x128xf32> to vector<128x128x128xf32>
      %add3A_318 = arith.addf %mul3A_316, %add3A_317 : vector<128x128x128xf32>
      %max3A_319 = arith.constant 0.000000e+00 : f32
      %max3A_320 = vector.broadcast %max3A_319 : f32 to vector<128x128x128xf32>
      %max3A_321 = arith.maximumf %add3A_318, %max3A_320 : vector<128x128x128xf32>
      %jit3A = arith.constant 0.000000e+00 : f32
      %broadcast_in_dim3A_322 = vector.broadcast %jit3A : f32 to vector<128x128x128xf32>
      %select_n3A = arith.select %and3A_223, %max3A_321, %broadcast_in_dim3A_322 : vector<128x128x128xi1>, vector<128x128x128xf32>
      %reduce_sum3A_323 = arith.constant dense<0.000000e+00> : vector<128x128xf32>
      %reduce_sum3A_324 = vector.multi_reduction <add>, %select_n3A, %reduce_sum3A_323 [1] : vector<128x128x128xf32> to vector<128x128xf32>
      %add3A_325 = arith.addf %while3A_180, %reduce_sum3A_324 : vector<128x128xf32>
      scf.yield %add3A_325 : vector<128x128xf32>
    }
    %while3A_90 = arith.constant 1 : i32
    %while3A_91 = scf.for %while3A_179 = %while3A_87 to %while3A_83 step %while3A_90 iter_args(%while3A_180 = %while3A_89) -> (vector<128x128xf32>)  : i32 {
      %get3A_181 = arith.index_cast %arg0 : i32 to index
      %get3A_182 = arith.index_cast %while3A_179 : i32 to index
      %get3A_183 = memref.load %arg2[%get3A_181, %get3A_182] : memref<80x80xi32, #tpu.memory_space<smem>>
      %mul3A_184 = arith.constant 128 : i32
      %mul3A_185 = arith.muli %get3A_183, %mul3A_184 : i32
      %get3A_186 = arith.index_cast %mul3A_185 : i32 to index
      %get3A_187 = arith.constant 0 : index
      %get3A_188 = vector.load %arg6[%get3A_186, %get3A_187] : memref<10240x2xf32, #tpu.memory_space<vmem>>, vector<128x2xf32>
      %slice3A_189 = vector.extract_strided_slice %get3A_188 {offsets = [0, 0], sizes = [128, 1], strides = [1, 1]} : vector<128x2xf32> to vector<128x1xf32>
      %broadcast_in_dim3A_190 = vector.shape_cast %slice3A_189 : vector<128x1xf32> to vector<128x1xf32>
      %broadcast_in_dim3A_191 = vector.broadcast %broadcast_in_dim3A_190 : vector<128x1xf32> to vector<128x128xf32>
      %reshape3A_192 = vector.shape_cast %broadcast_in_dim3A_191 : vector<128x128xf32> to vector<1x128x128xf32>
      %slice3A_193 = vector.extract_strided_slice %get3A_188 {offsets = [0, 1], sizes = [128, 1], strides = [1, 1]} : vector<128x2xf32> to vector<128x1xf32>
      %broadcast_in_dim3A_194 = vector.shape_cast %slice3A_193 : vector<128x1xf32> to vector<128x1xf32>
      %broadcast_in_dim3A_195 = vector.broadcast %broadcast_in_dim3A_194 : vector<128x1xf32> to vector<128x128xf32>
      %reshape3A_196 = vector.shape_cast %broadcast_in_dim3A_195 : vector<128x128xf32> to vector<1x128x128xf32>
      %mul3A_197 = arith.mulf %reshape3A_192, %reshape3A_192 : vector<1x128x128xf32>
      %mul3A_198 = arith.mulf %reshape3A_196, %reshape3A_196 : vector<1x128x128xf32>
      %add3A_199 = arith.addf %mul3A_197, %mul3A_198 : vector<1x128x128xf32>
      %convert_element_type3A_200 = arith.truncf %reshape3A_192 : vector<1x128x128xf32> to vector<1x128x128xbf16>
      %convert_element_type3A_201 = arith.extf %convert_element_type3A_200 : vector<1x128x128xbf16> to vector<1x128x128xf32>
      %convert_element_type3A_202 = arith.truncf %reshape3A_196 : vector<1x128x128xf32> to vector<1x128x128xbf16>
      %convert_element_type3A_203 = arith.extf %convert_element_type3A_202 : vector<1x128x128xbf16> to vector<1x128x128xf32>
      %add3A_204 = vector.broadcast %add3A_49 : vector<128x1x128xf32> to vector<128x128x128xf32>
      %add3A_205 = vector.broadcast %add3A_199 : vector<1x128x128xf32> to vector<128x128x128xf32>
      %add3A_206 = arith.addf %add3A_204, %add3A_205 : vector<128x128x128xf32>
      %mul3A_207 = vector.broadcast %convert_element_type3A_50 : vector<128x1x128xf32> to vector<128x128x128xf32>
      %mul3A_208 = vector.broadcast %convert_element_type3A_201 : vector<1x128x128xf32> to vector<128x128x128xf32>
      %mul3A_209 = arith.mulf %mul3A_207, %mul3A_208 : vector<128x128x128xf32>
      %mul3A_210 = vector.broadcast %convert_element_type3A_52 : vector<128x1x128xf32> to vector<128x128x128xf32>
      %mul3A_211 = vector.broadcast %convert_element_type3A_203 : vector<1x128x128xf32> to vector<128x128x128xf32>
      %mul3A_212 = arith.mulf %mul3A_210, %mul3A_211 : vector<128x128x128xf32>
      %add3A_213 = arith.addf %mul3A_209, %mul3A_212 : vector<128x128x128xf32>
      %mul3A_214 = arith.constant 2.000000e+00 : f32
      %mul3A_215 = vector.broadcast %mul3A_214 : f32 to vector<128x128x128xf32>
      %mul3A_216 = arith.mulf %mul3A_215, %add3A_213 : vector<128x128x128xf32>
      %sub3A_217 = arith.subf %add3A_206, %mul3A_216 : vector<128x128x128xf32>
      %le3A = vector.broadcast %mul3A_56 : f32 to vector<128x128x128xf32>
      %le3A_218 = arith.cmpf ole, %sub3A_217, %le3A : vector<128x128x128xf32>
      %add3A_219 = vector.broadcast %mul3A_185 : i32 to vector<1x128x128xi32>
      %add3A_220 = arith.addi %iota3A, %add3A_219 : vector<1x128x128xi32>
      %lt3A = arith.constant 10000 : i32
      %lt3A_221 = vector.broadcast %lt3A : i32 to vector<1x128x128xi32>
      %lt3A_222 = arith.cmpi slt, %add3A_220, %lt3A_221 : vector<1x128x128xi32>
      %and3A = vector.broadcast %lt3A_222 : vector<1x128x128xi1> to vector<128x128x128xi1>
      %and3A_223 = arith.andi %le3A_218, %and3A : vector<128x128x128xi1>
      %sub3A_224 = vector.broadcast %reshape3A_42 : vector<128x1x128xf32> to vector<128x128x128xf32>
      %sub3A_225 = vector.broadcast %reshape3A_192 : vector<1x128x128xf32> to vector<128x128x128xf32>
      %sub3A_226 = arith.subf %sub3A_224, %sub3A_225 : vector<128x128x128xf32>
      %sub3A_227 = vector.broadcast %reshape3A_46 : vector<128x1x128xf32> to vector<128x128x128xf32>
      %sub3A_228 = vector.broadcast %reshape3A_196 : vector<1x128x128xf32> to vector<128x128x128xf32>
      %sub3A_229 = arith.subf %sub3A_227, %sub3A_228 : vector<128x128x128xf32>
      %mul3A_230 = vector.broadcast %reshape3A_60 : vector<1x1x128xf32> to vector<128x128x128xf32>
      %mul3A_231 = arith.mulf %sub3A_226, %mul3A_230 : vector<128x128x128xf32>
      %mul3A_232 = vector.broadcast %reshape3A_64 : vector<1x1x128xf32> to vector<128x128x128xf32>
      %mul3A_233 = arith.mulf %sub3A_229, %mul3A_232 : vector<128x128x128xf32>
      %add3A_234 = arith.addf %mul3A_231, %mul3A_233 : vector<128x128x128xf32>
      %add3A_235 = vector.broadcast %reshape3A_68 : vector<1x1x128xf32> to vector<128x128x128xf32>
      %add3A_236 = arith.addf %add3A_234, %add3A_235 : vector<128x128x128xf32>
      %max3A_237 = arith.constant 0.000000e+00 : f32
      %max3A_238 = vector.broadcast %max3A_237 : f32 to vector<128x128x128xf32>
      %max3A_239 = arith.maximumf %add3A_236, %max3A_238 : vector<128x128x128xf32>
      %reshape3A_240 = vector.shape_cast %max3A_239 : vector<128x128x128xf32> to vector<16384x128xf32>
      %get3A_241 = arith.constant 0 : index
      %get3A_242 = arith.constant 0 : index
      %get3A_243 = vector.load %arg14[%get3A_241, %get3A_242] : memref<128x128xf32, #tpu.memory_space<vmem>>, vector<128x128xf32>
      %dot_general3A_244 = arith.constant dense<0.000000e+00> : vector<16384x128xf32>
      %dot_general3A_245 = tpu.matmul %reshape3A_240, %get3A_243, %dot_general3A_244 {dimension_numbers = #tpu.dot_dimension_numbers<[1], [0], [0], [1], [0, 0, 1, 1], [], []>, transpose_lhs_hint = false} : vector<16384x128xf32>, vector<128x128xf32>, vector<16384x128xf32> -> vector<16384x128xf32>
      %get3A_246 = arith.constant 0 : index
      %get3A_247 = arith.constant 0 : index
      %get3A_248 = vector.load %arg15[%get3A_246, %get3A_247] : memref<1x128xf32, #tpu.memory_space<vmem>>, vector<1x128xf32>
      %get3A_249 = arith.constant 0 : index
      %get3A_250 = arith.constant 0 : index
      %get3A_251 = vector.load %arg16[%get3A_249, %get3A_250] : memref<1x128xf32, #tpu.memory_space<vmem>>, vector<1x128xf32>
      %reduce_sum3A_252 = arith.constant dense<0.000000e+00> : vector<16384xf32>
      %reduce_sum3A_253 = vector.multi_reduction <add>, %dot_general3A_245, %reduce_sum3A_252 [1] : vector<16384x128xf32> to vector<16384xf32>
      %broadcast_in_dim3A_254 = vector.shape_cast %reduce_sum3A_253 : vector<16384xf32> to vector<16384x1xf32>
      %div3A_255 = arith.constant 1.280000e+02 : f32
      %div3A_256 = vector.broadcast %div3A_255 : f32 to vector<16384x1xf32>
      %div3A_257 = arith.divf %broadcast_in_dim3A_254, %div3A_256 : vector<16384x1xf32>
      %sub3A_258 = vector.broadcast %div3A_257 : vector<16384x1xf32> to vector<16384x128xf32>
      %sub3A_259 = arith.subf %dot_general3A_245, %sub3A_258 : vector<16384x128xf32>
      %mul3A_260 = arith.mulf %sub3A_259, %sub3A_259 : vector<16384x128xf32>
      %reduce_sum3A_261 = arith.constant dense<0.000000e+00> : vector<16384xf32>
      %reduce_sum3A_262 = vector.multi_reduction <add>, %mul3A_260, %reduce_sum3A_261 [1] : vector<16384x128xf32> to vector<16384xf32>
      %broadcast_in_dim3A_263 = vector.shape_cast %reduce_sum3A_262 : vector<16384xf32> to vector<16384x1xf32>
      %div3A_264 = arith.constant 1.280000e+02 : f32
      %div3A_265 = vector.broadcast %div3A_264 : f32 to vector<16384x1xf32>
      %div3A_266 = arith.divf %broadcast_in_dim3A_263, %div3A_265 : vector<16384x1xf32>
      %add3A_267 = arith.constant 9.99999974E-6 : f32
      %add3A_268 = vector.broadcast %add3A_267 : f32 to vector<16384x1xf32>
      %add3A_269 = arith.addf %div3A_266, %add3A_268 : vector<16384x1xf32>
      %rsqrt3A_270 = math.rsqrt %add3A_269 : vector<16384x1xf32>
      %mul3A_271 = vector.broadcast %rsqrt3A_270 : vector<16384x1xf32> to vector<16384x128xf32>
      %mul3A_272 = arith.mulf %sub3A_259, %mul3A_271 : vector<16384x128xf32>
      %mul3A_273 = vector.broadcast %get3A_248 : vector<1x128xf32> to vector<16384x128xf32>
      %mul3A_274 = arith.mulf %mul3A_272, %mul3A_273 : vector<16384x128xf32>
      %add3A_275 = vector.broadcast %get3A_251 : vector<1x128xf32> to vector<16384x128xf32>
      %add3A_276 = arith.addf %mul3A_274, %add3A_275 : vector<16384x128xf32>
      %max3A_277 = arith.constant 0.000000e+00 : f32
      %max3A_278 = vector.broadcast %max3A_277 : f32 to vector<16384x128xf32>
      %max3A_279 = arith.maximumf %add3A_276, %max3A_278 : vector<16384x128xf32>
      %get3A_280 = arith.constant 0 : index
      %get3A_281 = arith.constant 0 : index
      %get3A_282 = vector.load %arg17[%get3A_280, %get3A_281] : memref<128x128xf32, #tpu.memory_space<vmem>>, vector<128x128xf32>
      %dot_general3A_283 = arith.constant dense<0.000000e+00> : vector<16384x128xf32>
      %dot_general3A_284 = tpu.matmul %max3A_279, %get3A_282, %dot_general3A_283 {dimension_numbers = #tpu.dot_dimension_numbers<[1], [0], [0], [1], [0, 0, 1, 1], [], []>, transpose_lhs_hint = false} : vector<16384x128xf32>, vector<128x128xf32>, vector<16384x128xf32> -> vector<16384x128xf32>
      %get3A_285 = arith.index_cast %mul3A_185 : i32 to index
      %get3A_286 = arith.constant 0 : index
      %get3A_287 = vector.load %arg7[%get3A_285, %get3A_286] : memref<10240x128xf32, #tpu.memory_space<vmem>>, vector<128x128xf32>
      %reshape3A_288 = vector.shape_cast %get3A_287 : vector<128x128xf32> to vector<1x128x128xf32>
      %reshape3A_289 = vector.shape_cast %dot_general3A_284 : vector<16384x128xf32> to vector<128x128x128xf32>
      %add3A_290 = vector.broadcast %reshape3A : vector<128x1x128xf32> to vector<128x128x128xf32>
      %add3A_291 = arith.addf %reshape3A_289, %add3A_290 : vector<128x128x128xf32>
      %add3A_292 = vector.broadcast %reshape3A_288 : vector<1x128x128xf32> to vector<128x128x128xf32>
      %add3A_293 = arith.addf %add3A_291, %add3A_292 : vector<128x128x128xf32>
      %reduce_sum3A_294 = arith.constant dense<0.000000e+00> : vector<128x128xf32>
      %reduce_sum3A_295 = vector.multi_reduction <add>, %add3A_293, %reduce_sum3A_294 [2] : vector<128x128x128xf32> to vector<128x128xf32>
      %broadcast_in_dim3A_296 = vector.shape_cast %reduce_sum3A_295 : vector<128x128xf32> to vector<128x128x1xf32>
      %div3A_297 = arith.constant 1.280000e+02 : f32
      %div3A_298 = vector.broadcast %div3A_297 : f32 to vector<128x128x1xf32>
      %div3A_299 = arith.divf %broadcast_in_dim3A_296, %div3A_298 : vector<128x128x1xf32>
      %sub3A_300 = vector.broadcast %div3A_299 : vector<128x128x1xf32> to vector<128x128x128xf32>
      %sub3A_301 = arith.subf %add3A_293, %sub3A_300 : vector<128x128x128xf32>
      %mul3A_302 = arith.mulf %sub3A_301, %sub3A_301 : vector<128x128x128xf32>
      %reduce_sum3A_303 = arith.constant dense<0.000000e+00> : vector<128x128xf32>
      %reduce_sum3A_304 = vector.multi_reduction <add>, %mul3A_302, %reduce_sum3A_303 [2] : vector<128x128x128xf32> to vector<128x128xf32>
      %broadcast_in_dim3A_305 = vector.shape_cast %reduce_sum3A_304 : vector<128x128xf32> to vector<128x128x1xf32>
      %div3A_306 = arith.constant 1.280000e+02 : f32
      %div3A_307 = vector.broadcast %div3A_306 : f32 to vector<128x128x1xf32>
      %div3A_308 = arith.divf %broadcast_in_dim3A_305, %div3A_307 : vector<128x128x1xf32>
      %add3A_309 = arith.constant 9.99999974E-6 : f32
      %add3A_310 = vector.broadcast %add3A_309 : f32 to vector<128x128x1xf32>
      %add3A_311 = arith.addf %div3A_308, %add3A_310 : vector<128x128x1xf32>
      %rsqrt3A_312 = math.rsqrt %add3A_311 : vector<128x128x1xf32>
      %mul3A_313 = vector.broadcast %rsqrt3A_312 : vector<128x128x1xf32> to vector<128x128x128xf32>
      %mul3A_314 = arith.mulf %sub3A_301, %mul3A_313 : vector<128x128x128xf32>
      %mul3A_315 = vector.broadcast %reshape3A_72 : vector<1x1x128xf32> to vector<128x128x128xf32>
      %mul3A_316 = arith.mulf %mul3A_314, %mul3A_315 : vector<128x128x128xf32>
      %add3A_317 = vector.broadcast %reshape3A_76 : vector<1x1x128xf32> to vector<128x128x128xf32>
      %add3A_318 = arith.addf %mul3A_316, %add3A_317 : vector<128x128x128xf32>
      %max3A_319 = arith.constant 0.000000e+00 : f32
      %max3A_320 = vector.broadcast %max3A_319 : f32 to vector<128x128x128xf32>
      %max3A_321 = arith.maximumf %add3A_318, %max3A_320 : vector<128x128x128xf32>
      %jit3A = arith.constant 0.000000e+00 : f32
      %broadcast_in_dim3A_322 = vector.broadcast %jit3A : f32 to vector<128x128x128xf32>
      %select_n3A = arith.select %and3A_223, %max3A_321, %broadcast_in_dim3A_322 : vector<128x128x128xi1>, vector<128x128x128xf32>
      %reduce_sum3A_323 = arith.constant dense<0.000000e+00> : vector<128x128xf32>
      %reduce_sum3A_324 = vector.multi_reduction <add>, %select_n3A, %reduce_sum3A_323 [1] : vector<128x128x128xf32> to vector<128x128xf32>
      %add3A_325 = arith.addf %while3A_180, %reduce_sum3A_324 : vector<128x128xf32>
      scf.yield %add3A_325 : vector<128x128xf32>
    }
    %get3A_92 = arith.constant 0 : index
    %get3A_93 = arith.constant 0 : index
    %get3A_94 = vector.load %arg20[%get3A_92, %get3A_93] : memref<128x128xf32, #tpu.memory_space<vmem>>, vector<128x128xf32>
    %dot_general3A_95 = arith.constant dense<0.000000e+00> : vector<128x128xf32>
    %dot_general3A_96 = tpu.matmul %get3A_1, %get3A_94, %dot_general3A_95 {dimension_numbers = #tpu.dot_dimension_numbers<[1], [0], [0], [1], [0, 0, 1, 1], [], []>, transpose_lhs_hint = false} : vector<128x128xf32>, vector<128x128xf32>, vector<128x128xf32> -> vector<128x128xf32>
    %get3A_97 = arith.constant 0 : index
    %get3A_98 = arith.constant 0 : index
    %get3A_99 = vector.load %arg21[%get3A_97, %get3A_98] : memref<128x128xf32, #tpu.memory_space<vmem>>, vector<128x128xf32>
    %dot_general3A_100 = arith.constant dense<0.000000e+00> : vector<128x128xf32>
    %dot_general3A_101 = tpu.matmul %while3A_91, %get3A_99, %dot_general3A_100 {dimension_numbers = #tpu.dot_dimension_numbers<[1], [0], [0], [1], [0, 0, 1, 1], [], []>, transpose_lhs_hint = false} : vector<128x128xf32>, vector<128x128xf32>, vector<128x128xf32> -> vector<128x128xf32>
    %add3A_102 = arith.addf %dot_general3A_96, %dot_general3A_101 : vector<128x128xf32>
    %get3A_103 = arith.constant 0 : index
    %get3A_104 = arith.constant 0 : index
    %get3A_105 = vector.load %arg22[%get3A_103, %get3A_104] : memref<1x128xf32, #tpu.memory_space<vmem>>, vector<1x128xf32>
    %get3A_106 = arith.constant 0 : index
    %get3A_107 = arith.constant 0 : index
    %get3A_108 = vector.load %arg23[%get3A_106, %get3A_107] : memref<1x128xf32, #tpu.memory_space<vmem>>, vector<1x128xf32>
    %reduce_sum3A_109 = arith.constant dense<0.000000e+00> : vector<128xf32>
    %reduce_sum3A_110 = vector.multi_reduction <add>, %add3A_102, %reduce_sum3A_109 [1] : vector<128x128xf32> to vector<128xf32>
    %broadcast_in_dim3A_111 = vector.shape_cast %reduce_sum3A_110 : vector<128xf32> to vector<128x1xf32>
    %div3A_112 = arith.constant 1.280000e+02 : f32
    %div3A_113 = vector.broadcast %div3A_112 : f32 to vector<128x1xf32>
    %div3A_114 = arith.divf %broadcast_in_dim3A_111, %div3A_113 : vector<128x1xf32>
    %sub3A_115 = vector.broadcast %div3A_114 : vector<128x1xf32> to vector<128x128xf32>
    %sub3A_116 = arith.subf %add3A_102, %sub3A_115 : vector<128x128xf32>
    %mul3A_117 = arith.mulf %sub3A_116, %sub3A_116 : vector<128x128xf32>
    %reduce_sum3A_118 = arith.constant dense<0.000000e+00> : vector<128xf32>
    %reduce_sum3A_119 = vector.multi_reduction <add>, %mul3A_117, %reduce_sum3A_118 [1] : vector<128x128xf32> to vector<128xf32>
    %broadcast_in_dim3A_120 = vector.shape_cast %reduce_sum3A_119 : vector<128xf32> to vector<128x1xf32>
    %div3A_121 = arith.constant 1.280000e+02 : f32
    %div3A_122 = vector.broadcast %div3A_121 : f32 to vector<128x1xf32>
    %div3A_123 = arith.divf %broadcast_in_dim3A_120, %div3A_122 : vector<128x1xf32>
    %add3A_124 = arith.constant 9.99999974E-6 : f32
    %add3A_125 = vector.broadcast %add3A_124 : f32 to vector<128x1xf32>
    %add3A_126 = arith.addf %div3A_123, %add3A_125 : vector<128x1xf32>
    %rsqrt3A_127 = math.rsqrt %add3A_126 : vector<128x1xf32>
    %mul3A_128 = vector.broadcast %rsqrt3A_127 : vector<128x1xf32> to vector<128x128xf32>
    %mul3A_129 = arith.mulf %sub3A_116, %mul3A_128 : vector<128x128xf32>
    %mul3A_130 = vector.broadcast %get3A_105 : vector<1x128xf32> to vector<128x128xf32>
    %mul3A_131 = arith.mulf %mul3A_129, %mul3A_130 : vector<128x128xf32>
    %add3A_132 = vector.broadcast %get3A_108 : vector<1x128xf32> to vector<128x128xf32>
    %add3A_133 = arith.addf %mul3A_131, %add3A_132 : vector<128x128xf32>
    %max3A_134 = arith.constant 0.000000e+00 : f32
    %max3A_135 = vector.broadcast %max3A_134 : f32 to vector<128x128xf32>
    %max3A_136 = arith.maximumf %add3A_133, %max3A_135 : vector<128x128xf32>
    %get3A_137 = arith.constant 0 : index
    %get3A_138 = arith.constant 0 : index
    %get3A_139 = vector.load %arg24[%get3A_137, %get3A_138] : memref<128x128xf32, #tpu.memory_space<vmem>>, vector<128x128xf32>
    %dot_general3A_140 = arith.constant dense<0.000000e+00> : vector<128x128xf32>
    %dot_general3A_141 = tpu.matmul %max3A_136, %get3A_139, %dot_general3A_140 {dimension_numbers = #tpu.dot_dimension_numbers<[1], [0], [0], [1], [0, 0, 1, 1], [], []>, transpose_lhs_hint = false} : vector<128x128xf32>, vector<128x128xf32>, vector<128x128xf32> -> vector<128x128xf32>
    %get3A_142 = arith.constant 0 : index
    %get3A_143 = arith.constant 0 : index
    %get3A_144 = vector.load %arg25[%get3A_142, %get3A_143] : memref<1x128xf32, #tpu.memory_space<vmem>>, vector<1x128xf32>
    %get3A_145 = arith.constant 0 : index
    %get3A_146 = arith.constant 0 : index
    %get3A_147 = vector.load %arg26[%get3A_145, %get3A_146] : memref<1x128xf32, #tpu.memory_space<vmem>>, vector<1x128xf32>
    %reduce_sum3A_148 = arith.constant dense<0.000000e+00> : vector<128xf32>
    %reduce_sum3A_149 = vector.multi_reduction <add>, %dot_general3A_141, %reduce_sum3A_148 [1] : vector<128x128xf32> to vector<128xf32>
    %broadcast_in_dim3A_150 = vector.shape_cast %reduce_sum3A_149 : vector<128xf32> to vector<128x1xf32>
    %div3A_151 = arith.constant 1.280000e+02 : f32
    %div3A_152 = vector.broadcast %div3A_151 : f32 to vector<128x1xf32>
    %div3A_153 = arith.divf %broadcast_in_dim3A_150, %div3A_152 : vector<128x1xf32>
    %sub3A_154 = vector.broadcast %div3A_153 : vector<128x1xf32> to vector<128x128xf32>
    %sub3A_155 = arith.subf %dot_general3A_141, %sub3A_154 : vector<128x128xf32>
    %mul3A_156 = arith.mulf %sub3A_155, %sub3A_155 : vector<128x128xf32>
    %reduce_sum3A_157 = arith.constant dense<0.000000e+00> : vector<128xf32>
    %reduce_sum3A_158 = vector.multi_reduction <add>, %mul3A_156, %reduce_sum3A_157 [1] : vector<128x128xf32> to vector<128xf32>
    %broadcast_in_dim3A_159 = vector.shape_cast %reduce_sum3A_158 : vector<128xf32> to vector<128x1xf32>
    %div3A_160 = arith.constant 1.280000e+02 : f32
    %div3A_161 = vector.broadcast %div3A_160 : f32 to vector<128x1xf32>
    %div3A_162 = arith.divf %broadcast_in_dim3A_159, %div3A_161 : vector<128x1xf32>
    %add3A_163 = arith.constant 9.99999974E-6 : f32
    %add3A_164 = vector.broadcast %add3A_163 : f32 to vector<128x1xf32>
    %add3A_165 = arith.addf %div3A_162, %add3A_164 : vector<128x1xf32>
    %rsqrt3A_166 = math.rsqrt %add3A_165 : vector<128x1xf32>
    %mul3A_167 = vector.broadcast %rsqrt3A_166 : vector<128x1xf32> to vector<128x128xf32>
    %mul3A_168 = arith.mulf %sub3A_155, %mul3A_167 : vector<128x128xf32>
    %mul3A_169 = vector.broadcast %get3A_144 : vector<1x128xf32> to vector<128x128xf32>
    %mul3A_170 = arith.mulf %mul3A_168, %mul3A_169 : vector<128x128xf32>
    %add3A_171 = vector.broadcast %get3A_147 : vector<1x128xf32> to vector<128x128xf32>
    %add3A_172 = arith.addf %mul3A_170, %add3A_171 : vector<128x128xf32>
    %add3A_173 = arith.addf %add3A_172, %get3A_1 : vector<128x128xf32>
    %max3A_174 = arith.constant 0.000000e+00 : f32
    %max3A_175 = vector.broadcast %max3A_174 : f32 to vector<128x128xf32>
    %max3A_176 = arith.maximumf %add3A_173, %max3A_175 : vector<128x128xf32>
    %swap3A = arith.constant 0 : index
    %swap3A_177 = arith.constant 0 : index
    %swap3A_178 = vector.load %arg27[%swap3A, %swap3A_177] : memref<128x128xf32, #tpu.memory_space<vmem>>, vector<128x128xf32>
    tpu.vector_store %arg27[%swap3A, %swap3A_177], %max3A_176 {strides = array<i32>} : memref<128x128xf32, #tpu.memory_space<vmem>>, vector<128x128xf32>,
    return
  }
  func.func @transform_0(%arg0: i32) -> (i32, i32) {
    %c0_i32 = arith.constant 0 : i32
    %c0_i32_0 = arith.constant 0 : i32
    %c0_i32_1 = arith.constant 0 : i32
    return %c0_i32, %c0_i32_0 : i32, i32
  }
  func.func @transform_1(%arg0: i32) -> (i32, i32) {
    %c0_i32 = arith.constant 0 : i32
    %c0_i32_0 = arith.constant 0 : i32
    %c0_i32_1 = arith.constant 0 : i32
    return %c0_i32, %c0_i32_0 : i32, i32
  }
  func.func @transform_2(%arg0: i32) -> (i32, i32) {
    %c0_i32 = arith.constant 0 : i32
    %c0_i32_0 = arith.constant 0 : i32
    %c0_i32_1 = arith.constant 0 : i32
    return %c0_i32, %c0_i32_0 : i32, i32
  }
  func.func @transform_3(%arg0: i32) -> (i32, i32) {
    %c0_i32 = arith.constant 0 : i32
    %c0_i32_0 = arith.constant 0 : i32
    return %arg0, %c0_i32 : i32, i32
  }
  func.func @transform_4(%arg0: i32) -> (i32, i32) {
    %c0_i32 = arith.constant 0 : i32
    %c0_i32_0 = arith.constant 0 : i32
    return %arg0, %c0_i32 : i32, i32
  }
  func.func @transform_5(%arg0: i32) -> (i32, i32) {
    %c0_i32 = arith.constant 0 : i32
    %c0_i32_0 = arith.constant 0 : i32
    %c0_i32_1 = arith.constant 0 : i32
    return %c0_i32, %c0_i32_0 : i32, i32
  }
  func.func @transform_6(%arg0: i32) -> (i32, i32) {
    %c0_i32 = arith.constant 0 : i32
    %c0_i32_0 = arith.constant 0 : i32
    %c0_i32_1 = arith.constant 0 : i32
    return %c0_i32, %c0_i32_0 : i32, i32
  }
  func.func @transform_7(%arg0: i32) -> (i32, i32) {
    %c0_i32 = arith.constant 0 : i32
    %c0_i32_0 = arith.constant 0 : i32
    %c0_i32_1 = arith.constant 0 : i32
    return %c0_i32, %c0_i32_0 : i32, i32
  }
  func.func @transform_8(%arg0: i32) -> (i32, i32) {
    %c0_i32 = arith.constant 0 : i32
    %c0_i32_0 = arith.constant 0 : i32
    %c0_i32_1 = arith.constant 0 : i32
    return %c0_i32, %c0_i32_0 : i32, i32
  }
  func.func @transform_9(%arg0: i32) -> (i32, i32) {
    %c0_i32 = arith.constant 0 : i32
    %c0_i32_0 = arith.constant 0 : i32
    %c0_i32_1 = arith.constant 0 : i32
    return %c0_i32, %c0_i32_0 : i32, i32
  }
  func.func @transform_10(%arg0: i32) -> (i32, i32) {
    %c0_i32 = arith.constant 0 : i32
    %c0_i32_0 = arith.constant 0 : i32
    %c0_i32_1 = arith.constant 0 : i32
    return %c0_i32, %c0_i32_0 : i32, i32
  }
  func.func @transform_11(%arg0: i32) -> (i32, i32) {
    %c0_i32 = arith.constant 0 : i32
    %c0_i32_0 = arith.constant 0 : i32
    %c0_i32_1 = arith.constant 0 : i32
    return %c0_i32, %c0_i32_0 : i32, i32
  }
  func.func @transform_12(%arg0: i32) -> (i32, i32) {
    %c0_i32 = arith.constant 0 : i32
    %c0_i32_0 = arith.constant 0 : i32
    %c0_i32_1 = arith.constant 0 : i32
    return %c0_i32, %c0_i32_0 : i32, i32
  }
  func.func @transform_13(%arg0: i32) -> (i32, i32) {
    %c0_i32 = arith.constant 0 : i32
    %c0_i32_0 = arith.constant 0 : i32
    %c0_i32_1 = arith.constant 0 : i32
    return %c0_i32, %c0_i32_0 : i32, i32
  }
  func.func @transform_14(%arg0: i32) -> (i32, i32) {
    %c0_i32 = arith.constant 0 : i32
    %c0_i32_0 = arith.constant 0 : i32
    %c0_i32_1 = arith.constant 0 : i32
    return %c0_i32, %c0_i32_0 : i32, i32
  }
  func.func @transform_15(%arg0: i32) -> (i32, i32) {
    %c0_i32 = arith.constant 0 : i32
    %c0_i32_0 = arith.constant 0 : i32
    %c0_i32_1 = arith.constant 0 : i32
    return %c0_i32, %c0_i32_0 : i32, i32
  }
  func.func @transform_16(%arg0: i32) -> (i32, i32) {
    %c0_i32 = arith.constant 0 : i32
    %c0_i32_0 = arith.constant 0 : i32
    %c0_i32_1 = arith.constant 0 : i32
    return %c0_i32, %c0_i32_0 : i32, i32
  }
  func.func @transform_17(%arg0: i32) -> (i32, i32) {
    %c0_i32 = arith.constant 0 : i32
    %c0_i32_0 = arith.constant 0 : i32
    %c0_i32_1 = arith.constant 0 : i32
    return %c0_i32, %c0_i32_0 : i32, i32
  }
  func.func @transform_18(%arg0: i32) -> (i32, i32) {
    %c0_i32 = arith.constant 0 : i32
    %c0_i32_0 = arith.constant 0 : i32
    %c0_i32_1 = arith.constant 0 : i32
    return %c0_i32, %c0_i32_0 : i32, i32
  }
  func.func @transform_19(%arg0: i32) -> (i32, i32) {
    %c0_i32 = arith.constant 0 : i32
    %c0_i32_0 = arith.constant 0 : i32
    %c0_i32_1 = arith.constant 0 : i32
    return %c0_i32, %c0_i32_0 : i32, i32
  }
  func.func @transform_20(%arg0: i32) -> (i32, i32) {
    %c0_i32 = arith.constant 0 : i32
    %c0_i32_0 = arith.constant 0 : i32
    %c0_i32_1 = arith.constant 0 : i32
    return %c0_i32, %c0_i32_0 : i32, i32
  }
  func.func @transform_21(%arg0: i32) -> (i32, i32) {
    %c0_i32 = arith.constant 0 : i32
    %c0_i32_0 = arith.constant 0 : i32
    %c0_i32_1 = arith.constant 0 : i32
    return %c0_i32, %c0_i32_0 : i32, i32
  }
  func.func @transform_22(%arg0: i32) -> (i32, i32) {
    %c0_i32 = arith.constant 0 : i32
    %c0_i32_0 = arith.constant 0 : i32
    %c0_i32_1 = arith.constant 0 : i32
    return %c0_i32, %c0_i32_0 : i32, i32
  }
  func.func @transform_23(%arg0: i32) -> (i32, i32) {
    %c0_i32 = arith.constant 0 : i32
    %c0_i32_0 = arith.constant 0 : i32
    %c0_i32_1 = arith.constant 0 : i32
    return %c0_i32, %c0_i32_0 : i32, i32
  }
  func.func @transform_24(%arg0: i32) -> (i32, i32) {
    %c0_i32 = arith.constant 0 : i32
    %c0_i32_0 = arith.constant 0 : i32
    %c0_i32_1 = arith.constant 0 : i32
    return %c0_i32, %c0_i32_0 : i32, i32
  }
  func.func @transform_25(%arg0: i32) -> (i32, i32) {
    %c0_i32 = arith.constant 0 : i32
    %c0_i32_0 = arith.constant 0 : i32
    %c0_i32_1 = arith.constant 0 : i32
    return %c0_i32, %c0_i32_0 : i32, i32
  }
  func.func @transform_26(%arg0: i32) -> (i32, i32) {
    %c0_i32 = arith.constant 0 : i32
    %c0_i32_0 = arith.constant 0 : i32
    return %arg0, %c0_i32 : i32, i32
  }
}

</mosaic_0001>

<sc_bundles>
// kernel: gather_offload_async_start.1
scs
__scs_entry_jumppad:
0x0: {  	(pc) =	sbr.rel $0x88, $3  }
0x1: {  	(tag) =	ssettag $0x0;
	lr =	simm.s32 $0x1  }
0x2: {  	[smem:$0x3F8A] =	sst lr;
	_ =	strace $0xD0000000  }
0x3: {  	_ = 	snop  }
0x4: {  	_ = 	snop  }
0x5: {  	_ = 	snop  }
0x6: {  	_ = 	snop  }
0x7: {  	_ = 	snop  }
__scs_overlays_trampoline_lowered:
0x8: {  	[smem:$0x3F99] =	sst s0  }
0x9: {  	[smem:$0x3F9A] =	sst s1  }
0xa: {  	[smem:$0x3F9B] =	sst s2  }
0xb: {  	[smem:$0x3F9C] =	sst s3  }
0xc: {  	[smem:$0x3F9D] =	sst s4  }
0xd: {  	[smem:$0x3F9E] =	sst s5  }
0xe: {  	[smem:$0x3F9F] =	sst s6  }
0xf: {  	[smem:$0x3FA0] =	sst s7  }
0x10: {  	[smem:$0x3FA1] =	sst s8  }
0x11: {  	[smem:$0x3FA2] =	sst s9;
	s0 =	simm.s32 @!p0 $0x0  }
0x12: {  	s1 =	sld [smem:$0x3F88];
	s0 =	simm.s32 @p0 $0x1  }
0x13: {  	[smem:$0x3FA3] =	sst s0;
	s0 =	simm.s32 @!p1 $0x0  }
0x14: {  	s2 =	sld [smem:$0x3F87];
	s0 =	simm.s32 @p1 $0x1  }
0x15: {  	[smem:$0x3FA4] =	sst s0;
	s0 =	simm.s32 @!p2 $0x0  }
0x16: {  	s3 =	sld [smem:$0x3FDB];
	s0 =	simm.s32 @p2 $0x1  }
0x17: {  	s4 =	simm.s32 $0x1BF5;
	[smem:$0x3FA6] =	sst s0  }
0x18: {  	s0 =	sld [smem:$0x3F89];
	_ =	swait.ge [sflag:s4], $0x0  }
0x19: {  	s7 =	sld [smem:$0x3F8A]  }
0x1a: {  	s8 =	sadd.s32 $0xFFFFE003, lr  }
0x1b: {  	s9 =	sadd.s32 $0xFFFFFEF7, lr;
	s5 =	simm.s32 $0xFFFFFFFF;
	p2 =	slt.u32 s8, $0xFFFFF086  }
0x1c: {  	p1 =	slt.u32 s9, $0xF7A;
	s5 =	simm.s32 @!p2 $0x0  }
0x1d: {  	s5 =	simm.s32 @p1 $0x1;
	p0 =	seq.s32 s7, s2  }
0x1e: {  	s7 =	smul.u32 @!p0 $0xF7A, s2;
	p2 =	seq.s32 @!p0 s5, $0x0  }
0x1f: {  	s9 =	smul.u32 $0xF7A, s1;
	s8 =	simm.s32 @!p0 $0x1BF5;
	p2 =	por !p2, p0  }
0x20: {  	[sflag:s8] =	ssyncset.s32 @!p0 $0xFFFFF086;
	s6 =	sadd.s32 @!p0 s3, s7;
	s7 =	simm.s32 @!p0 $0x108  }
0x21: {  	s3 =	sadd.s32 s3, s9;
	s6 =	sadd.s32 @!p0 $0x88, s6;
	s7 =	simm.s32 @p2 $0x1082  }
0x22: {  	[simem:s7], [sflag:s8] =	dma.local @!p0 [hbm:s6], $0xF7A  }
0x23: {  	s9 =	sor.u32 $0xD0000000, s2;
	s6 =	simm.s32 $0x108;
	_ =	swait.ge @!p0 [sflag:s8], $0x0  }
0x24: {  	s3 =	sadd.s32 $0x88, s3;
	s6 =	simm.s32 @!p1 $0x1082;
	[sflag:s4] =	ssyncset.s32 $0xFFFFF086  }
0x25: {  	[simem:s6], [sflag:s4] =	dma.local [hbm:s3], $0xF7A  }
0x26: {  	[smem:$0x3F8A] =	sst s1;
	(tag) =	ssettag s2;
	_ =	strace s9  }
0x27: {  	s1 =	sld [smem:$0x3F9A]  }
0x28: {  	s2 =	sld [smem:$0x3F9B]  }
0x29: {  	s4 =	sld [smem:$0x3F9D]  }
0x2a: {  	p0 =	seq.s32 s5, $0x0;
	s5 =	sld [smem:$0x3F9E]  }
0x2b: {  	s6 =	sld [smem:$0x3F9F]  }
0x2c: {  	s7 =	sld [smem:$0x3FA0]  }
0x2d: {  	s3 =	simm.s32 $0x108;
	s8 =	sld [smem:$0x3FA1]  }
0x2e: {  	s3 =	simm.s32 @!p0 $0x1082;
	s9 =	sld [smem:$0x3FA2]  }
0x2f: {  	lr =	sadd.s32 s0, s3;
	s0 =	sld [smem:$0x3F99]  }
0x30: {  	s3 =	sld [smem:$0x3F9C]  }
0x31: {  	[smem:$0x3FA5] =	sst s10  }
0x32: {  	s10 =	sld [smem:$0x3FA3];
	_ =	sdelay $0x3  }
0x33: {  	p0 =	seq.s32 s10, $0x1;
	s10 =	sld [smem:$0x3FA5];
	_ =	sdelay $0x3  }
0x34: {  	[smem:$0x3FA5] =	sst s10  }
0x35: {  	s10 =	sld [smem:$0x3FA4];
	_ =	sdelay $0x3  }
0x36: {  	p1 =	seq.s32 s10, $0x1;
	s10 =	sld [smem:$0x3FA5];
	_ =	sdelay $0x3  }
0x37: {  	[smem:$0x3FA5] =	sst s10  }
0x38: {  	s10 =	sld [smem:$0x3FA6]  }
0x39: {  	_ = 	snop;
	(pc) =	sbr.ind lr, $3  }
0x3a: {  	_ = 	snop  }
0x3b: {  	_ = 	snop  }
0x3c: {  	p2 =	seq.s32 s10, $0x1;
	s10 =	sld [smem:$0x3FA5]  }
0x3d: {  	_ =	shalt  }
0x3e: {  	_ =	shalt  }
0x3f: {  	_ =	shalt  }
0x40: {  	_ =	shalt  }
0x41: {  	_ =	shalt  }
0x42: {  	_ =	shalt  }
0x43: {  	_ =	shalt  }
0x44: {  	_ =	shalt  }
0x45: {  	_ =	shalt  }
0x46: {  	_ =	shalt  }
0x47: {  	_ =	shalt  }
0x48: {  	_ =	shalt  }
0x49: {  	_ =	shalt  }
0x4a: {  	_ =	shalt  }
0x4b: {  	_ =	shalt  }
0x4c: {  	_ =	shalt  }
0x4d: {  	_ =	shalt  }
0x4e: {  	_ =	shalt  }
0x4f: {  	_ =	shalt  }
0x50: {  	_ =	shalt  }
0x51: {  	_ =	shalt  }
0x52: {  	_ =	shalt  }
0x53: {  	_ =	shalt  }
0x54: {  	_ =	shalt  }
0x55: {  	_ =	shalt  }
0x56: {  	_ =	shalt  }
0x57: {  	_ =	shalt  }
0x58: {  	_ =	shalt  }
0x59: {  	_ =	shalt  }
0x5a: {  	_ =	shalt  }
0x5b: {  	_ =	shalt  }
0x5c: {  	_ =	shalt  }
0x5d: {  	_ =	shalt  }
0x5e: {  	_ =	shalt  }
0x5f: {  	_ =	shalt  }
0x60: {  	_ =	shalt  }
0x61: {  	_ =	shalt  }
0x62: {  	_ =	shalt  }
0x63: {  	_ =	shalt  }
0x64: {  	_ =	shalt  }
0x65: {  	_ =	shalt  }
0x66: {  	_ =	shalt  }
0x67: {  	_ =	shalt  }
0x68: {  	_ =	shalt  }
0x69: {  	_ =	shalt  }
0x6a: {  	_ =	shalt  }
0x6b: {  	_ =	shalt  }
0x6c: {  	_ =	shalt  }
0x6d: {  	_ =	shalt  }
0x6e: {  	_ =	shalt  }
0x6f: {  	_ =	shalt  }
0x70: {  	_ =	shalt  }
0x71: {  	_ =	shalt  }
0x72: {  	_ =	shalt  }
0x73: {  	_ =	shalt  }
0x74: {  	_ =	shalt  }
0x75: {  	_ =	shalt  }
0x76: {  	_ =	shalt  }
0x77: {  	_ =	shalt  }
0x78: {  	_ =	shalt  }
0x79: {  	_ =	shalt  }
0x7a: {  	_ =	shalt  }
0x7b: {  	_ =	shalt  }
0x7c: {  	_ =	shalt  }
0x7d: {  	_ =	shalt  }
0x7e: {  	_ =	shalt  }
0x7f: {  	_ =	shalt  }
0x80: {  	_ =	shalt  }
0x81: {  	_ =	shalt  }
0x82: {  	_ =	shalt  }
0x83: {  	_ =	shalt  }
0x84: {  	_ =	shalt  }
0x85: {  	_ =	shalt  }
0x86: {  	_ =	shalt  }
0x87: {  	_ =	shalt  }
.Lfunc_end0:
.L_simem_size_0:
called_computation.1_lowered:
.L_overlay_start_0:
0x88: {  	s2 =	sld [smem:$0x3FD9]  }
0x89: {  	s3 =	sld [smem:$0x3FFE];
	_ =	sdelay $0x1  }
0x8a: {  	s1 =	srdreg.scid  }
0x8b: {  	s0 =	sand.u32 $0x1, s1  }
0x8c: {  	s17 =	sshll.u32 s0, $0xA;
	s2 =	sadd.s32 s3, s2  }
0x8d: {  	s2 =	sadd.s32 s2, s17  }
0x8e: {  	[smem:$0x3FB1] =	sst s2  }
0x8f: {  	_ = 	snop  }
0x90: {  	s2 =	sld [smem:$0x3FD0];
	(tm) =	ssettm $0x1  }
0x91: {  	s18 =	sld [smem:$0x3FFB];
	_ =	sdelay $0x3  }
0x92: {  	_ =	strace s18  }
0x93: {  	s3 =	sld [smem:$0x3FFC];
	_ =	sdelay $0x3  }
0x94: {  	_ =	strace s3  }
0x95: {  	s3 =	sld [smem:$0x3FFD];
	_ =	sdelay $0x3  }
0x96: {  	_ =	strace s3  }
0x97: {  	_ =	strace $0x8FFFFFFF  }
0x98: {  	s19 =	sld [smem:$0x3FDB];
	_ =	sdelay $0x1  }
0x99: {  	s4 =	simm.s32 $_scs_section_size  }
0x9a: {  	s5 =	simm.s32 $_size__tile_overlayer_lowered;
	s6 =	simm.s32 $_tile_overlayer_lowered  }
0x9b: {  	s22 =	simm.s32 $0x1BFF;
	s21 =	sshll.u32 s6, $0x1;
	s3 =	sadd.s32 s4, s19  }
0x9c: {  	s7 =	simm.s32 $0x0;
	s20 =	sshll.u32 s5, $0x1;
	s5 =	sadd.s32 s21, s3  }
0x9d: {  	[timem:s7], [sflag:s22] =	dma.local [hbm:s5], s20  }
0x9e: {  	_ =	swait.ge [sflag:s22], s20  }
0x9f: {  	s4 =	ssub.s32 $0x0, s20;
	[sflag:s22] =	ssyncset.done $0x0  }
0xa0: {  	[sflag:s22] =	ssyncadd.s32 s4;
	_ =	sdelay $0x1  }
0xa1: {  	s23 =	simm.s32 $0x1B8B  }
0xa2: {  	_ =	swait.ge [sflag:s23], $0x1  }
0xa3: {  	[sflag:s23] =	ssyncset.done $0x0  }
0xa4: {  	s25 =	simm.s32 $0x1B8E;
	s24 =	sld [smem:$0x3FFE];
	[sflag:s23] =	ssyncadd.s32 $0xFFFFFFFF  }
0xa5: {  	s26 =	simm.s32 $execute0_lowered;
	[smem:$0x3FD2] =	sst s25  }
0xa6: {  	s5 =	sshll.u32 s26, $0x1;
	_ =	strace $0x80000046;
	[dreg:$0x1] =	wrdreg $0xFFFFFFFF  }
0xa7: {  	s28 =	simm.s32 $_size_execute0_lowered;
	s3 =	sadd.s32 s3, s5;
	[dreg:$0x0] =	wrdreg $0x0  }
0xa8: {  	s5 =	sshll.u32 s28, $0x1;
	[dreg:$0x2] =	wrdreg s3  }
0xa9: {  	[dreg:$0x3] =	wrdreg s5  }
0xaa: {  	[dreg:$0x4] =	wrdreg $0xC0  }
0xab: {  	_ =	task [dreg:s7], $0x5FFFF  }
0xac: {  	[dreg:$0x1] =	wrdreg $0xFFFFFFFF  }
0xad: {  	[dreg:$0x0] =	wrdreg $0x60  }
0xae: {  	[dreg:$0x2] =	wrdreg s2  }
0xaf: {  	[dreg:$0x3] =	wrdreg s24  }
0xb0: {  	[dreg:$0x4] =	wrdreg $0xA  }
0xb1: {  	_ =	task.clear_ibuf [dreg:s7], $0x5FFFF;
	_ =	strace $0x90000046  }
0xb2: {  	s29 =	simm.s32 $0xA;
	_ =	strace $0x80000048  }
0xb3: {  	_ =	swait.ge [sflag:s29], $0x1  }
0xb4: {  	[sflag:s29] =	ssyncadd.s32 $0xFFFFFFFF  }
0xb5: {  	_ =	strace $0x90000048  }
0xb6: {  	_ =	sfence  }
0xb7: {  	s30 =	sld [smem:$0x0];
	_ =	sdelay $0x2  }
0xb8: {  	s31 =	sshll.u32 s1, $0xD;
	s1 =	sshrl.u32 s1, $0x2  }
0xb9: {  	s3 =	sand.u32 $0x4000, s31;
	s1 =	sadd.s32 s1, s30  }
0xba: {  	s0 =	sor.u32 s3, s0;
	s1 =	sshll.u32 s1, $0x11  }
0xbb: {  	s0 =	sor.u32 s1, s0  }
0xbc: {  	s0 =	sadd.s32 $0x8F2B, s0  }
0xbd: {  	[sflag:s0] =	ssyncadd.remote.s32 $0x1  }
0xbe: {  	_ =	sfence.sel $0xFFFF  }
0xbf: {  	[dreg:$0x0] =	wrdreg $0xFFFFFFFF;
	(pc) =	sbr.abs _section_cstart, $3  }
0xc0: {  	[dreg:$0x1] =	wrdreg $0xFFFFFFFF  }
0xc1: {  	_ =	task.clear_ibuf [dreg:s7], $0x2FFFF;
	_ =	strace $0x9FFFFFFF  }
0xc2: {  	(tm) =	ssettm $0x7FFFFFFF  }
0xc3: {  	_ =	shalt  }
tec
execute0_lowered:
.L_overlay_start_1:
0x0: {  	(tag) =	ssettag $0x1  }
0x1: {  	s0 =	srdreg.scid  }
0x2: {  	s1 =	sshll.u32 s0, $0x4  }
0x3: {  	s0 =	stileid.u32;
	s1 =	sand.u32 $0x10, s1  }
0x4: {  	s1 =	sor.u32 s0, s1  }
0x5: {  	s9 =	rddreg [dreg:$0x1];
	s6 =	simm.s32 $0x1;
	s2 =	smin.u32 s1, $0x8  }
0x6: {  	p0 =	slt.u32 s1, $0x8;
	s3 =	sadd.s32 s1, s2;
	s1 =	simm.s32 $0x200  }
0x7: {  	s7 =	simm.s32 $0x2;
	s3 =	sshll.u32 s3, $0x8;
	s1 =	simm.s32 @!p0 $0x100  }
0x8: {  	s10 =	simm.s32 $0x3;
	s13 =	simm.s32 $0x0;
	s4 =	sadd.s32 s1, s3  }
0x9: {  	s12 =	simm.s32 $0x0;
	s5 =	sadd.s32 $0x400, s9;
	s4 =	smin.u32 s4, $0x2800  }
.Ltmp0:
0xa: {  	s2 =	rddreg [dreg:$0x0];
	s8 =	ssub.s32 s4, s3;
	(pc) =	sbr.rel .LBB2_1-.Ltmp0, $4  }
0xb: {  	s1 =	rddreg [dreg:$0x2];
	_ =	strace $0x80000047;
	p0 =	sgt.s32 s8, $0x0  }
0xc: {  	s9 =	sadd.s32 $0xA00, s9;
	[sflag:s6] =	ssyncpa.u1 $0x0;
	s8 =	simm.s32 @!p0 $0x0  }
0xd: {  	s11 =	smov.u32 s3;
	[sflag:s7] =	ssyncpa.u1 $0x0;
	s8 =	sshrl.u32 s8, $0x8  }
0xe: {  	vm0 =	vmmov $0xff;
	vm1 =	vcmask $0x3F20;
	[sflag:s10] =	ssyncpa.u1 $0x0;
	p0 =	por $0x0, $0x0;
	s10 =	sadd.s32 $0x1, s8  }
.LBB2_6:
0xf: {  	[hbm:s17] =	stream.linear.scatter [tilespmem:s14], [sflag:$0x3], $0x400, $0x38;
	[tilespmem:$0x10200] =	vst v63  }
.LBB2_7:
0x10: {  	s13 =	sadd.s32 $0x100, s11  }
0x11: {  	s15 =	smov.u32 s3;
	p2 =	slt.s32 s13, s4  }
0x12: {  	s15 =	smov.u32 @p2 s13;
	p2 =	sne.s32 s12, s10  }
.Ltmp1:
0x13: {  	p1 =	slt.u32 s12, $0x2;
	(pc) =	sbr.rel @!p2 .LBB2_8-.Ltmp1, $4  }
0x14: {  	s14 =	simm.s32 @!p1 $0x3  }
0x15: {  	s16 =	sadd.s32 $0x1, s12;
	_ =	swait.ge @!p1 [sflag:s14], $0x8000  }
0x16: {  	p0 =	por !p0, !p0;
	s13 =	smov.u32 s11;
	[sflag:s14] =	ssyncset.done @!p1 $0x0  }
0x17: {  	s12 =	smov.u32 s16;
	s11 =	smov.u32 s15;
	[sflag:s14] =	ssyncadd.s32 @!p1 $0xFFFF8000  }
.LBB2_1:
0x18: {  	p1 =	sge.u32 s12, s8  }
0x19: {  	s14 =	sxor.u32 @!p1 $0xFFFFFFFF, s12  }
0x1a: {  	s31 =	sadd.s32 $0xFFFFFFFF, s12;
	s15 =	sshrl.u32 @!p1 s11, $0x3;
	s14 =	sshll.u32 @!p1 s14, $0x8  }
0x1b: {  	s16 =	sand.u32 @!p1 $0x7, s11;
	s15 =	sadd.s32 @!p1 s5, s15;
	s14 =	sand.u32 @!p1 $0x100, s14  }
0x1c: {  	[tilespmem:s14], [sflag:$0x2] =	stream.linear.gather @!p1 [hbm4b:s15+s16], $0x100, $0x38;
	[tilespmem:$0x10200] =	vst v63  }
0x1d: {  	p1 =	sge.u32 s31, s8  }
.Ltmp2:
0x1e: {  	_ = 	snop;
	(pc) =	sbr.rel @p1 .LBB2_7-.Ltmp2, $1  }
0x1f: {  	_ =	sdelay $0x3  }
0x20: {  	s14 =	simm.s32 $0x1  }
0x21: {  	_ =	swait.ge [sflag:s7], $0x100;
	s14 =	simm.s32 @!p0 $0x0  }
0x22: {  	[sflag:s7] =	ssyncset.done $0x0;
	s16 =	sshll.u32 s14, $0x8  }
0x23: {  	[sflag:s7] =	ssyncadd.s32 $0xFFFFFF00;
	s15 =	sadd.s32 $0x0, s16  }
0x24: {  	v0 =	vld.msk [tilespmem:s15+$0x0 ss:$0x1], $0xffff;
	_ =	sdelay $0x4  }
0x25: {  	vm2 =	vgt.s32 v0, $0x0  }
0x26: {  	v0 =	vnsel vm2, $0x0, v0  }
0x27: {  	v0 =	vmin.u32 v0, $0x270F  }
0x28: {  	v0 =	vshll.u32 v0, $0x4;
	_ =	sdelay $0x2  }
0x29: {  	s14 =	sshll.u32 s14, $0xF  }
0x2a: {  	s14 =	sor.u32 $0x200, s14  }
0x2b: {  	[tilespmem:s14], [sflag:$0x1] =	stream.indirect_vreg.gather [hbm:s2], $0x80, v0, vm0, $0x38;
	[tilespmem:$0x10200] =	vst v63  }
0x2c: {  	s17 =	sadd.s32 $0x10, s16;
	s15 =	sadd.s32 $0x400, s14  }
0x2d: {  	[tilespmem:s15], [sflag:$0x1] =	stream.indirect_vreg.gather [hbm:s2], $0x80, v0, vm1, $0x38;
	[tilespmem:$0x10200] =	vst v63  }
0x2e: {  	s18 =	simm.s32 $0x80;
	v0 =	vld.msk [tilespmem:s17+$0x0 ss:$0x1], $0xffff;
	s17 =	smov.u32 s14  }
.LBB2_3:
0x2f: {  	p1 =	sne.s32 s18, $0x3C0;
	_ =	sdelay $0x4  }
0x30: {  	vm2 =	vgt.s32 v0, $0x0  }
0x31: {  	v0 =	vnsel vm2, $0x0, v0  }
0x32: {  	v0 =	vmin.u32 v0, $0x270F  }
0x33: {  	v0 =	vshll.u32 v0, $0x4;
	_ =	sdelay $0x3  }
.Ltmp3:
0x34: {  	s19 =	sshra.s32 s18, $0x2;
	s17 =	sadd.s32 $0x800, s17;
	(pc) =	sbr.rel @p1 .LBB2_3-.Ltmp3, $4  }
0x35: {  	[tilespmem:s17], [sflag:$0x1] =	stream.indirect_vreg.gather [hbm:s2], $0x80, v0, vm0, $0x38;
	[tilespmem:$0x10200] =	vst v63  }
0x36: {  	s19 =	sadd.s32 s19, s16;
	s20 =	sadd.s32 $0x400, s17  }
0x37: {  	[tilespmem:s20], [sflag:$0x1] =	stream.indirect_vreg.gather [hbm:s2], $0x80, v0, vm1, $0x38;
	[tilespmem:$0x10200] =	vst v63  }
0x38: {  	s18 =	sadd.s32 $0x40, s18;
	v0 =	vld.msk [tilespmem:s19+$0x0 ss:$0x1], $0xffff  }
0x39: {  	_ =	sdelay $0x3  }
0x3a: {  	vm2 =	vgt.s32 v0, $0x0  }
0x3b: {  	v0 =	vnsel vm2, $0x0, v0  }
0x3c: {  	v0 =	vmin.u32 v0, $0x270F  }
0x3d: {  	v0 =	vshll.u32 v0, $0x4;
	_ =	sdelay $0x3  }
0x3e: {  	s16 =	sadd.s32 $0x800, s17  }
0x3f: {  	[tilespmem:s16], [sflag:$0x1] =	stream.indirect_vreg.gather [hbm:s2], $0x80, v0, vm0, $0x38;
	[tilespmem:$0x10200] =	vst v63  }
0x40: {  	s16 =	sadd.s32 $0x400, s16  }
0x41: {  	[tilespmem:s16], [sflag:$0x1] =	stream.indirect_vreg.gather [hbm:s2], $0x80, v0, vm1, $0x38;
	[tilespmem:$0x10200] =	vst v63  }
0x42: {  	s13 =	sshll.u32 s13, $0x4;
	_ =	swait.ge [sflag:s6], $0x8000  }
0x43: {  	s13 =	sadd.s32 s13, s9;
	[sflag:s6] =	ssyncset.done $0x0  }
0x44: {  	s17 =	sadd.s32 $0x0, s13;
	s16 =	simm.s32 $0x80;
	[sflag:s6] =	ssyncadd.s32 $0xFFFF8000  }
.LBB2_5:
0x45: {  	[hbm:s17] =	stream.linear.scatter [tilespmem:s14], [sflag:$0x3], $0x400, $0x38;
	[tilespmem:$0x10200] =	vst v63  }
0x46: {  	s17 =	smov.u32 s16;
	s14 =	smov.u32 s15;
	p1 =	sne.s32 s16, $0xF80  }
.Ltmp4:
0x47: {  	s16 =	sadd.s32 $0x80, s16;
	(pc) =	sbr.rel @p1 .LBB2_5-.Ltmp4, $2  }
0x48: {  	_ =	sdelay $0x2  }
0x49: {  	s15 =	sadd.s32 $0x400, s15;
	s17 =	sadd.s32 s17, s13  }
.Ltmp5:
0x4a: {  	_ = 	snop;
	(pc) =	sbr.rel .LBB2_6-.Ltmp5, $1  }
0x4b: {  	_ =	sdelay $0x3  }
.LBB2_8:
0x4c: {  	_ =	sfence.sel $0x180000  }
0x4d: {  	s2 =	simm.s32 $0x2;
	[bflag:$0x0] =	sbarrier.arrive $0xFFFF  }
0x4e: {  	s30 =	simm.s32 $0x3;
	[sflag:s2] =	ssyncpa.u1 $0x1  }
0x4f: {  	s31 =	simm.s32 $0x1;
	[sflag:s30] =	ssyncpa.u1 $0x1  }
0x50: {  	[sflag:s31] =	ssyncpa.u1 $0x1  }
0x51: {  	p0 =	sne.s32 s0, $0x0;
	_ =	strace $0x90000047  }
0x52: {  	s0 =	sadd.s32 @!p0 $0x100000, s1;
	[bflag:$0x2] =	sbarrier.arrive $0xFFFF  }
0x53: {  	[sflag:s0] =	ssyncadd.tile.s32 @!p0 $0x1;
	_ =	shalt  }
.Lfunc_end2:
_tile_overlayer_lowered:
.L_overlay_start_2:
0x54: {  	(tag) =	ssettag $0x2  }
0x55: {  	s0 =	rddreg [dreg:$0x0];
	s2 =	stileid.u32  }
0x56: {  	s1 =	rddreg [dreg:$0x1];
	p0 =	sne.s32 s2, $0x0  }
0x57: {  	s3 =	rddreg [dreg:$0x2];
	[bflag:$0x3] =	sbarrier.arrive $0xFFFF;
	s2 =	simm.s32 @!p0 $0x1C01  }
0x58: {  	[timem:s3], [sflag:s2] =	dma.local @!p0 [hbm:s0], s1  }
0x59: {  	s0 =	simm.s32 @!p0 $0x1  }
0x5a: {  	_ =	swait.ge @!p0 [sflag:s0], s1  }
0x5b: {  	s1 =	ssub.s32 @!p0 $0x0, s1;
	[sflag:s0] =	ssyncset.done @!p0 $0x0  }
0x5c: {  	[sflag:s0] =	ssyncadd.s32 @!p0 s1  }
0x5d: {  	[bflag:$0x3] =	sbarrier.arrive $0xFFFF  }
0x5e: {  	_ =	shalt  }

// kernel: gather_offload_async_start
scs
__scs_entry_jumppad:
0x0: {  	(pc) =	sbr.rel $0x88, $3  }
0x1: {  	(tag) =	ssettag $0x0;
	lr =	simm.s32 $0x1  }
0x2: {  	[smem:$0x3F8A] =	sst lr;
	_ =	strace $0xD0000000  }
0x3: {  	_ = 	snop  }
0x4: {  	_ = 	snop  }
0x5: {  	_ = 	snop  }
0x6: {  	_ = 	snop  }
0x7: {  	_ = 	snop  }
__scs_overlays_trampoline_lowered:
0x8: {  	[smem:$0x3F99] =	sst s0  }
0x9: {  	[smem:$0x3F9A] =	sst s1  }
0xa: {  	[smem:$0x3F9B] =	sst s2  }
0xb: {  	[smem:$0x3F9C] =	sst s3  }
0xc: {  	[smem:$0x3F9D] =	sst s4  }
0xd: {  	[smem:$0x3F9E] =	sst s5  }
0xe: {  	[smem:$0x3F9F] =	sst s6  }
0xf: {  	[smem:$0x3FA0] =	sst s7  }
0x10: {  	[smem:$0x3FA1] =	sst s8  }
0x11: {  	[smem:$0x3FA2] =	sst s9;
	s0 =	simm.s32 @!p0 $0x0  }
0x12: {  	s1 =	sld [smem:$0x3F88];
	s0 =	simm.s32 @p0 $0x1  }
0x13: {  	[smem:$0x3FA3] =	sst s0;
	s0 =	simm.s32 @!p1 $0x0  }
0x14: {  	s2 =	sld [smem:$0x3F87];
	s0 =	simm.s32 @p1 $0x1  }
0x15: {  	[smem:$0x3FA4] =	sst s0;
	s0 =	simm.s32 @!p2 $0x0  }
0x16: {  	s3 =	sld [smem:$0x3FDB];
	s0 =	simm.s32 @p2 $0x1  }
0x17: {  	s4 =	simm.s32 $0x1BF5;
	[smem:$0x3FA6] =	sst s0  }
0x18: {  	s0 =	sld [smem:$0x3F89];
	_ =	swait.ge [sflag:s4], $0x0  }
0x19: {  	s7 =	sld [smem:$0x3F8A]  }
0x1a: {  	s8 =	sadd.s32 $0xFFFFE003, lr  }
0x1b: {  	s9 =	sadd.s32 $0xFFFFFEF7, lr;
	s5 =	simm.s32 $0xFFFFFFFF;
	p2 =	slt.u32 s8, $0xFFFFF086  }
0x1c: {  	p1 =	slt.u32 s9, $0xF7A;
	s5 =	simm.s32 @!p2 $0x0  }
0x1d: {  	s5 =	simm.s32 @p1 $0x1;
	p0 =	seq.s32 s7, s2  }
0x1e: {  	s7 =	smul.u32 @!p0 $0xF7A, s2;
	p2 =	seq.s32 @!p0 s5, $0x0  }
0x1f: {  	s9 =	smul.u32 $0xF7A, s1;
	s8 =	simm.s32 @!p0 $0x1BF5;
	p2 =	por !p2, p0  }
0x20: {  	[sflag:s8] =	ssyncset.s32 @!p0 $0xFFFFF086;
	s6 =	sadd.s32 @!p0 s3, s7;
	s7 =	simm.s32 @!p0 $0x108  }
0x21: {  	s3 =	sadd.s32 s3, s9;
	s6 =	sadd.s32 @!p0 $0x88, s6;
	s7 =	simm.s32 @p2 $0x1082  }
0x22: {  	[simem:s7], [sflag:s8] =	dma.local @!p0 [hbm:s6], $0xF7A  }
0x23: {  	s9 =	sor.u32 $0xD0000000, s2;
	s6 =	simm.s32 $0x108;
	_ =	swait.ge @!p0 [sflag:s8], $0x0  }
0x24: {  	s3 =	sadd.s32 $0x88, s3;
	s6 =	simm.s32 @!p1 $0x1082;
	[sflag:s4] =	ssyncset.s32 $0xFFFFF086  }
0x25: {  	[simem:s6], [sflag:s4] =	dma.local [hbm:s3], $0xF7A  }
0x26: {  	[smem:$0x3F8A] =	sst s1;
	(tag) =	ssettag s2;
	_ =	strace s9  }
0x27: {  	s1 =	sld [smem:$0x3F9A]  }
0x28: {  	s2 =	sld [smem:$0x3F9B]  }
0x29: {  	s4 =	sld [smem:$0x3F9D]  }
0x2a: {  	p0 =	seq.s32 s5, $0x0;
	s5 =	sld [smem:$0x3F9E]  }
0x2b: {  	s6 =	sld [smem:$0x3F9F]  }
0x2c: {  	s7 =	sld [smem:$0x3FA0]  }
0x2d: {  	s3 =	simm.s32 $0x108;
	s8 =	sld [smem:$0x3FA1]  }
0x2e: {  	s3 =	simm.s32 @!p0 $0x1082;
	s9 =	sld [smem:$0x3FA2]  }
0x2f: {  	lr =	sadd.s32 s0, s3;
	s0 =	sld [smem:$0x3F99]  }
0x30: {  	s3 =	sld [smem:$0x3F9C]  }
0x31: {  	[smem:$0x3FA5] =	sst s10  }
0x32: {  	s10 =	sld [smem:$0x3FA3];
	_ =	sdelay $0x3  }
0x33: {  	p0 =	seq.s32 s10, $0x1;
	s10 =	sld [smem:$0x3FA5];
	_ =	sdelay $0x3  }
0x34: {  	[smem:$0x3FA5] =	sst s10  }
0x35: {  	s10 =	sld [smem:$0x3FA4];
	_ =	sdelay $0x3  }
0x36: {  	p1 =	seq.s32 s10, $0x1;
	s10 =	sld [smem:$0x3FA5];
	_ =	sdelay $0x3  }
0x37: {  	[smem:$0x3FA5] =	sst s10  }
0x38: {  	s10 =	sld [smem:$0x3FA6]  }
0x39: {  	_ = 	snop;
	(pc) =	sbr.ind lr, $3  }
0x3a: {  	_ = 	snop  }
0x3b: {  	_ = 	snop  }
0x3c: {  	p2 =	seq.s32 s10, $0x1;
	s10 =	sld [smem:$0x3FA5]  }
0x3d: {  	_ =	shalt  }
0x3e: {  	_ =	shalt  }
0x3f: {  	_ =	shalt  }
0x40: {  	_ =	shalt  }
0x41: {  	_ =	shalt  }
0x42: {  	_ =	shalt  }
0x43: {  	_ =	shalt  }
0x44: {  	_ =	shalt  }
0x45: {  	_ =	shalt  }
0x46: {  	_ =	shalt  }
0x47: {  	_ =	shalt  }
0x48: {  	_ =	shalt  }
0x49: {  	_ =	shalt  }
0x4a: {  	_ =	shalt  }
0x4b: {  	_ =	shalt  }
0x4c: {  	_ =	shalt  }
0x4d: {  	_ =	shalt  }
0x4e: {  	_ =	shalt  }
0x4f: {  	_ =	shalt  }
0x50: {  	_ =	shalt  }
0x51: {  	_ =	shalt  }
0x52: {  	_ =	shalt  }
0x53: {  	_ =	shalt  }
0x54: {  	_ =	shalt  }
0x55: {  	_ =	shalt  }
0x56: {  	_ =	shalt  }
0x57: {  	_ =	shalt  }
0x58: {  	_ =	shalt  }
0x59: {  	_ =	shalt  }
0x5a: {  	_ =	shalt  }
0x5b: {  	_ =	shalt  }
0x5c: {  	_ =	shalt  }
0x5d: {  	_ =	shalt  }
0x5e: {  	_ =	shalt  }
0x5f: {  	_ =	shalt  }
0x60: {  	_ =	shalt  }
0x61: {  	_ =	shalt  }
0x62: {  	_ =	shalt  }
0x63: {  	_ =	shalt  }
0x64: {  	_ =	shalt  }
0x65: {  	_ =	shalt  }
0x66: {  	_ =	shalt  }
0x67: {  	_ =	shalt  }
0x68: {  	_ =	shalt  }
0x69: {  	_ =	shalt  }
0x6a: {  	_ =	shalt  }
0x6b: {  	_ =	shalt  }
0x6c: {  	_ =	shalt  }
0x6d: {  	_ =	shalt  }
0x6e: {  	_ =	shalt  }
0x6f: {  	_ =	shalt  }
0x70: {  	_ =	shalt  }
0x71: {  	_ =	shalt  }
0x72: {  	_ =	shalt  }
0x73: {  	_ =	shalt  }
0x74: {  	_ =	shalt  }
0x75: {  	_ =	shalt  }
0x76: {  	_ =	shalt  }
0x77: {  	_ =	shalt  }
0x78: {  	_ =	shalt  }
0x79: {  	_ =	shalt  }
0x7a: {  	_ =	shalt  }
0x7b: {  	_ =	shalt  }
0x7c: {  	_ =	shalt  }
0x7d: {  	_ =	shalt  }
0x7e: {  	_ =	shalt  }
0x7f: {  	_ =	shalt  }
0x80: {  	_ =	shalt  }
0x81: {  	_ =	shalt  }
0x82: {  	_ =	shalt  }
0x83: {  	_ =	shalt  }
0x84: {  	_ =	shalt  }
0x85: {  	_ =	shalt  }
0x86: {  	_ =	shalt  }
0x87: {  	_ =	shalt  }
.Lfunc_end0:
.L_simem_size_0:
called_computation_lowered:
.L_overlay_start_0:
0x88: {  	s2 =	sld [smem:$0x3FD9]  }
0x89: {  	s3 =	sld [smem:$0x3FFE];
	_ =	sdelay $0x1  }
0x8a: {  	s1 =	srdreg.scid  }
0x8b: {  	s0 =	sand.u32 $0x1, s1  }
0x8c: {  	s17 =	sshll.u32 s0, $0xA;
	s2 =	sadd.s32 s3, s2  }
0x8d: {  	s2 =	sadd.s32 s2, s17  }
0x8e: {  	[smem:$0x3FB1] =	sst s2  }
0x8f: {  	_ = 	snop  }
0x90: {  	(tm) =	ssettm $0x1  }
0x91: {  	s18 =	sld [smem:$0x3FFB];
	_ =	sdelay $0x3  }
0x92: {  	_ =	strace s18  }
0x93: {  	s2 =	sld [smem:$0x3FFC];
	_ =	sdelay $0x3  }
0x94: {  	_ =	strace s2  }
0x95: {  	s2 =	sld [smem:$0x3FFD];
	_ =	sdelay $0x3  }
0x96: {  	_ =	strace s2  }
0x97: {  	_ =	strace $0x8FFFFFFF  }
0x98: {  	s19 =	sld [smem:$0x3FDB];
	_ =	sdelay $0x1  }
0x99: {  	s20 =	simm.s32 $_scs_section_size  }
0x9a: {  	s4 =	simm.s32 $_size__tile_overlayer_lowered;
	s5 =	simm.s32 $_tile_overlayer_lowered  }
0x9b: {  	s6 =	simm.s32 $0x1BFF;
	s21 =	sshll.u32 s5, $0x1;
	s3 =	sadd.s32 s20, s19  }
0x9c: {  	s22 =	simm.s32 $0x0;
	s4 =	sshll.u32 s4, $0x1;
	s5 =	sadd.s32 s21, s3  }
0x9d: {  	[timem:s22], [sflag:s6] =	dma.local [hbm:s5], s4  }
0x9e: {  	_ =	swait.ge [sflag:s6], s4  }
0x9f: {  	s4 =	ssub.s32 $0x0, s4;
	[sflag:s6] =	ssyncset.done $0x0  }
0xa0: {  	[sflag:s6] =	ssyncadd.s32 s4;
	_ =	sdelay $0x1  }
0xa1: {  	s23 =	simm.s32 $0x1B8B  }
0xa2: {  	_ =	swait.ge [sflag:s23], $0x1  }
0xa3: {  	[sflag:s23] =	ssyncset.done $0x0  }
0xa4: {  	[sflag:s23] =	ssyncadd.s32 $0xFFFFFFFF  }
0xa5: {  	s4 =	sld [smem:$0x0]  }
0xa6: {  	s5 =	sand.u32 $0xFFFFFFFE, s1  }
0xa7: {  	p0 =	sne.s32 s1, s5  }
0xa8: {  	s5 =	sshll.u32 @p0 s5, $0xE  }
0xa9: {  	s5 =	sadd.s32 @p0 $0x11B8D, s5;
	s6 =	sshll.u32 @p0 s4, $0x11  }
0xaa: {  	s5 =	sor.u32 @p0 s6, s5  }
0xab: {  	[sflag:s5] =	ssyncadd.remote.s32 @p0 $0x1;
	_ =	sdelay $0x1  }
0xac: {  	s5 =	simm.s32 @p0 $0x1B8D  }
0xad: {  	_ =	swait.eq @p0 [sflag:s5], $0x1  }
0xae: {  	[sflag:s5] =	ssyncadd.s32 @p0 $0xFFFFFFFF  }
0xaf: {  	s6 =	sshll.u32 @!p0 s1, $0xE  }
0xb0: {  	s6 =	sor.u32 @!p0 $0x4000, s6;
	s5 =	simm.s32 @!p0 $0x1B8D  }
0xb1: {  	s4 =	sshll.u32 @!p0 s4, $0x11;
	s6 =	sadd.s32 @!p0 $0x11B8D, s6;
	_ =	swait.eq @!p0 [sflag:s5], $0x1  }
0xb2: {  	s4 =	sor.u32 @!p0 s4, s6;
	[sflag:s5] =	ssyncadd.s32 @!p0 $0xFFFFFFFF  }
0xb3: {  	s25 =	simm.s32 $0x1B8E;
	s24 =	sld [smem:$0x3FFE];
	[sflag:s4] =	ssyncadd.remote.s32 @!p0 $0x1  }
0xb4: {  	s26 =	simm.s32 $execute0_lowered;
	[smem:$0x3FD2] =	sst s25  }
0xb5: {  	s5 =	sshll.u32 s26, $0x1;
	_ =	strace $0x80000049;
	[dreg:$0x1] =	wrdreg $0xFFFFFFFF  }
0xb6: {  	s28 =	simm.s32 $_size_execute0_lowered;
	s3 =	sadd.s32 s3, s5;
	[dreg:$0x0] =	wrdreg $0x0  }
0xb7: {  	s5 =	sshll.u32 s28, $0x1;
	[dreg:$0x2] =	wrdreg s3  }
0xb8: {  	[dreg:$0x3] =	wrdreg s5  }
0xb9: {  	[dreg:$0x4] =	wrdreg $0xC0  }
0xba: {  	_ =	task [dreg:s22], $0x5FFFF  }
0xbb: {  	[dreg:$0x1] =	wrdreg $0xFFFFFFFF  }
0xbc: {  	[dreg:$0x0] =	wrdreg $0x60  }
0xbd: {  	[dreg:$0x2] =	wrdreg s24  }
0xbe: {  	[dreg:$0x3] =	wrdreg $0x9  }
0xbf: {  	_ =	task.clear_ibuf [dreg:s22], $0x4FFFF;
	_ =	strace $0x90000049  }
0xc0: {  	s29 =	simm.s32 $0x9;
	_ =	strace $0x8000004B  }
0xc1: {  	_ =	swait.ge [sflag:s29], $0x1  }
0xc2: {  	[sflag:s29] =	ssyncadd.s32 $0xFFFFFFFF  }
0xc3: {  	_ =	strace $0x9000004B  }
0xc4: {  	_ =	sfence  }
0xc5: {  	s30 =	sld [smem:$0x0];
	_ =	sdelay $0x2  }
0xc6: {  	s31 =	sshll.u32 s1, $0xD;
	s1 =	sshrl.u32 s1, $0x2  }
0xc7: {  	s4 =	sand.u32 $0x4000, s31;
	s1 =	sadd.s32 s1, s30  }
0xc8: {  	s0 =	sor.u32 s4, s0;
	s1 =	sshll.u32 s1, $0x11  }
0xc9: {  	s0 =	sor.u32 s1, s0  }
0xca: {  	s0 =	sadd.s32 $0x8F2B, s0  }
0xcb: {  	[sflag:s0] =	ssyncadd.remote.s32 $0x1  }
0xcc: {  	_ =	sfence.sel $0xFFFF  }
0xcd: {  	[dreg:$0x0] =	wrdreg $0xFFFFFFFF;
	(pc) =	sbr.abs _section_cstart, $3  }
0xce: {  	[dreg:$0x1] =	wrdreg $0xFFFFFFFF  }
0xcf: {  	_ =	task.clear_ibuf [dreg:s22], $0x2FFFF;
	_ =	strace $0x9FFFFFFF  }
0xd0: {  	(tm) =	ssettm $0x7FFFFFFF  }
0xd1: {  	_ =	shalt  }
tec
execute0_lowered:
.L_overlay_start_1:
0x0: {  	(tag) =	ssettag $0x1  }
0x1: {  	s0 =	srdreg.scid  }
0x2: {  	s1 =	sshll.u32 s0, $0x4  }
0x3: {  	s0 =	stileid.u32;
	s1 =	sand.u32 $0x10, s1  }
0x4: {  	s1 =	sor.u32 s0, s1  }
0x5: {  	s9 =	rddreg [dreg:$0x0];
	s6 =	simm.s32 $0x1;
	s2 =	smin.u32 s1, $0x8  }
0x6: {  	p0 =	slt.u32 s1, $0x8;
	s2 =	sadd.s32 s1, s2;
	s1 =	simm.s32 $0x200  }
0x7: {  	s7 =	simm.s32 $0x2;
	s2 =	sshll.u32 s2, $0x8;
	s1 =	simm.s32 @!p0 $0x100  }
0x8: {  	s10 =	simm.s32 $0x3;
	s13 =	simm.s32 $0x0;
	s3 =	sadd.s32 s1, s2  }
0x9: {  	s12 =	simm.s32 $0x0;
	s4 =	sadd.s32 $0x29000, s9;
	s3 =	smin.u32 s3, $0x2800  }
.Ltmp0:
0xa: {  	s5 =	sadd.s32 $0x28A00, s9;
	s8 =	ssub.s32 s3, s2;
	(pc) =	sbr.rel .LBB2_1-.Ltmp0, $4  }
0xb: {  	s1 =	rddreg [dreg:$0x1];
	_ =	strace $0x8000004A;
	p0 =	sgt.s32 s8, $0x0  }
0xc: {  	s9 =	sadd.s32 $0x50200, s9;
	[sflag:s6] =	ssyncpa.u1 $0x0;
	s8 =	simm.s32 @!p0 $0x0  }
0xd: {  	s11 =	smov.u32 s2;
	[sflag:s7] =	ssyncpa.u1 $0x0;
	s8 =	sshrl.u32 s8, $0x8  }
0xe: {  	vm0 =	vmmov $0xff;
	vm1 =	vcmask $0x3F20;
	[sflag:s10] =	ssyncpa.u1 $0x0;
	p0 =	por $0x0, $0x0;
	s10 =	sadd.s32 $0x1, s8  }
.LBB2_6:
0xf: {  	[hbm:s17] =	stream.linear.scatter [tilespmem:s14], [sflag:$0x3], $0x400, $0x38;
	[tilespmem:$0x10200] =	vst v63  }
.LBB2_7:
0x10: {  	s13 =	sadd.s32 $0x100, s11  }
0x11: {  	s15 =	smov.u32 s2;
	p2 =	slt.s32 s13, s3  }
0x12: {  	s15 =	smov.u32 @p2 s13;
	p2 =	sne.s32 s12, s10  }
.Ltmp1:
0x13: {  	p1 =	slt.u32 s12, $0x2;
	(pc) =	sbr.rel @!p2 .LBB2_8-.Ltmp1, $4  }
0x14: {  	s14 =	simm.s32 @!p1 $0x3  }
0x15: {  	s16 =	sadd.s32 $0x1, s12;
	_ =	swait.ge @!p1 [sflag:s14], $0x8000  }
0x16: {  	p0 =	por !p0, !p0;
	s13 =	smov.u32 s11;
	[sflag:s14] =	ssyncset.done @!p1 $0x0  }
0x17: {  	s12 =	smov.u32 s16;
	s11 =	smov.u32 s15;
	[sflag:s14] =	ssyncadd.s32 @!p1 $0xFFFF8000  }
.LBB2_1:
0x18: {  	p1 =	sge.u32 s12, s8  }
0x19: {  	s14 =	sxor.u32 @!p1 $0xFFFFFFFF, s12  }
0x1a: {  	s31 =	sadd.s32 $0xFFFFFFFF, s12;
	s15 =	sshrl.u32 @!p1 s11, $0x3;
	s14 =	sshll.u32 @!p1 s14, $0x8  }
0x1b: {  	s16 =	sand.u32 @!p1 $0x7, s11;
	s15 =	sadd.s32 @!p1 s5, s15;
	s14 =	sand.u32 @!p1 $0x100, s14  }
0x1c: {  	[tilespmem:s14], [sflag:$0x2] =	stream.linear.gather @!p1 [hbm4b:s15+s16], $0x100, $0x38;
	[tilespmem:$0x10200] =	vst v63  }
0x1d: {  	p1 =	sge.u32 s31, s8  }
.Ltmp2:
0x1e: {  	_ = 	snop;
	(pc) =	sbr.rel @p1 .LBB2_7-.Ltmp2, $1  }
0x1f: {  	_ =	sdelay $0x3  }
0x20: {  	s14 =	simm.s32 $0x1  }
0x21: {  	_ =	swait.ge [sflag:s7], $0x100;
	s14 =	simm.s32 @!p0 $0x0  }
0x22: {  	[sflag:s7] =	ssyncset.done $0x0;
	s16 =	sshll.u32 s14, $0x8  }
0x23: {  	[sflag:s7] =	ssyncadd.s32 $0xFFFFFF00;
	s15 =	sadd.s32 $0x0, s16  }
0x24: {  	v0 =	vld.msk [tilespmem:s15+$0x0 ss:$0x1], $0xffff;
	_ =	sdelay $0x4  }
0x25: {  	vm2 =	vgt.s32 v0, $0x0  }
0x26: {  	v0 =	vnsel vm2, $0x0, v0  }
0x27: {  	v0 =	vmin.u32 v0, $0x270F  }
0x28: {  	v0 =	vshll.u32 v0, $0x4;
	_ =	sdelay $0x2  }
0x29: {  	s14 =	sshll.u32 s14, $0xF  }
0x2a: {  	s14 =	sor.u32 $0x200, s14  }
0x2b: {  	[tilespmem:s14], [sflag:$0x1] =	stream.indirect_vreg.gather [hbm:s4], $0x80, v0, vm0, $0x38;
	[tilespmem:$0x10200] =	vst v63  }
0x2c: {  	s17 =	sadd.s32 $0x10, s16;
	s15 =	sadd.s32 $0x400, s14  }
0x2d: {  	[tilespmem:s15], [sflag:$0x1] =	stream.indirect_vreg.gather [hbm:s4], $0x80, v0, vm1, $0x38;
	[tilespmem:$0x10200] =	vst v63  }
0x2e: {  	s18 =	simm.s32 $0x80;
	v0 =	vld.msk [tilespmem:s17+$0x0 ss:$0x1], $0xffff;
	s17 =	smov.u32 s14  }
.LBB2_3:
0x2f: {  	p1 =	sne.s32 s18, $0x3C0;
	_ =	sdelay $0x4  }
0x30: {  	vm2 =	vgt.s32 v0, $0x0  }
0x31: {  	v0 =	vnsel vm2, $0x0, v0  }
0x32: {  	v0 =	vmin.u32 v0, $0x270F  }
0x33: {  	v0 =	vshll.u32 v0, $0x4;
	_ =	sdelay $0x3  }
.Ltmp3:
0x34: {  	s19 =	sshra.s32 s18, $0x2;
	s17 =	sadd.s32 $0x800, s17;
	(pc) =	sbr.rel @p1 .LBB2_3-.Ltmp3, $4  }
0x35: {  	[tilespmem:s17], [sflag:$0x1] =	stream.indirect_vreg.gather [hbm:s4], $0x80, v0, vm0, $0x38;
	[tilespmem:$0x10200] =	vst v63  }
0x36: {  	s19 =	sadd.s32 s19, s16;
	s20 =	sadd.s32 $0x400, s17  }
0x37: {  	[tilespmem:s20], [sflag:$0x1] =	stream.indirect_vreg.gather [hbm:s4], $0x80, v0, vm1, $0x38;
	[tilespmem:$0x10200] =	vst v63  }
0x38: {  	s18 =	sadd.s32 $0x40, s18;
	v0 =	vld.msk [tilespmem:s19+$0x0 ss:$0x1], $0xffff  }
0x39: {  	_ =	sdelay $0x3  }
0x3a: {  	vm2 =	vgt.s32 v0, $0x0  }
0x3b: {  	v0 =	vnsel vm2, $0x0, v0  }
0x3c: {  	v0 =	vmin.u32 v0, $0x270F  }
0x3d: {  	v0 =	vshll.u32 v0, $0x4;
	_ =	sdelay $0x3  }
0x3e: {  	s16 =	sadd.s32 $0x800, s17  }
0x3f: {  	[tilespmem:s16], [sflag:$0x1] =	stream.indirect_vreg.gather [hbm:s4], $0x80, v0, vm0, $0x38;
	[tilespmem:$0x10200] =	vst v63  }
0x40: {  	s16 =	sadd.s32 $0x400, s16  }
0x41: {  	[tilespmem:s16], [sflag:$0x1] =	stream.indirect_vreg.gather [hbm:s4], $0x80, v0, vm1, $0x38;
	[tilespmem:$0x10200] =	vst v63  }
0x42: {  	s13 =	sshll.u32 s13, $0x4;
	_ =	swait.ge [sflag:s6], $0x8000  }
0x43: {  	s13 =	sadd.s32 s13, s9;
	[sflag:s6] =	ssyncset.done $0x0  }
0x44: {  	s17 =	sadd.s32 $0x0, s13;
	s16 =	simm.s32 $0x80;
	[sflag:s6] =	ssyncadd.s32 $0xFFFF8000  }
.LBB2_5:
0x45: {  	[hbm:s17] =	stream.linear.scatter [tilespmem:s14], [sflag:$0x3], $0x400, $0x38;
	[tilespmem:$0x10200] =	vst v63  }
0x46: {  	s17 =	smov.u32 s16;
	s14 =	smov.u32 s15;
	p1 =	sne.s32 s16, $0xF80  }
.Ltmp4:
0x47: {  	s16 =	sadd.s32 $0x80, s16;
	(pc) =	sbr.rel @p1 .LBB2_5-.Ltmp4, $2  }
0x48: {  	_ =	sdelay $0x2  }
0x49: {  	s15 =	sadd.s32 $0x400, s15;
	s17 =	sadd.s32 s17, s13  }
.Ltmp5:
0x4a: {  	_ = 	snop;
	(pc) =	sbr.rel .LBB2_6-.Ltmp5, $1  }
0x4b: {  	_ =	sdelay $0x3  }
.LBB2_8:
0x4c: {  	_ =	sfence.sel $0x180000  }
0x4d: {  	s2 =	simm.s32 $0x2;
	[bflag:$0x0] =	sbarrier.arrive $0xFFFF  }
0x4e: {  	s30 =	simm.s32 $0x3;
	[sflag:s2] =	ssyncpa.u1 $0x1  }
0x4f: {  	s31 =	simm.s32 $0x1;
	[sflag:s30] =	ssyncpa.u1 $0x1  }
0x50: {  	[sflag:s31] =	ssyncpa.u1 $0x1  }
0x51: {  	p0 =	sne.s32 s0, $0x0;
	_ =	strace $0x9000004A  }
0x52: {  	s0 =	sadd.s32 @!p0 $0x100000, s1;
	[bflag:$0x2] =	sbarrier.arrive $0xFFFF  }
0x53: {  	[sflag:s0] =	ssyncadd.tile.s32 @!p0 $0x1;
	_ =	shalt  }
.Lfunc_end2:
_tile_overlayer_lowered:
.L_overlay_start_2:
0x54: {  	(tag) =	ssettag $0x2  }
0x55: {  	s0 =	rddreg [dreg:$0x0];
	s2 =	stileid.u32  }
0x56: {  	s1 =	rddreg [dreg:$0x1];
	p0 =	sne.s32 s2, $0x0  }
0x57: {  	s3 =	rddreg [dreg:$0x2];
	[bflag:$0x3] =	sbarrier.arrive $0xFFFF;
	s2 =	simm.s32 @!p0 $0x1C01  }
0x58: {  	[timem:s3], [sflag:s2] =	dma.local @!p0 [hbm:s0], s1  }
0x59: {  	s0 =	simm.s32 @!p0 $0x1  }
0x5a: {  	_ =	swait.ge @!p0 [sflag:s0], s1  }
0x5b: {  	s1 =	ssub.s32 @!p0 $0x0, s1;
	[sflag:s0] =	ssyncset.done @!p0 $0x0  }
0x5c: {  	[sflag:s0] =	ssyncadd.s32 @!p0 s1  }
0x5d: {  	[bflag:$0x3] =	sbarrier.arrive $0xFFFF  }
0x5e: {  	_ =	shalt  }

// kernel: kernel.10.cloned.1.call-start
scs
__scs_entry_jumppad:
0x0: {  	(pc) =	sbr.rel $0x88, $3  }
0x1: {  	(tag) =	ssettag $0x0;
	lr =	simm.s32 $0x1  }
0x2: {  	[smem:$0x3F8A] =	sst lr;
	_ =	strace $0xD0000000  }
0x3: {  	_ = 	snop  }
0x4: {  	_ = 	snop  }
0x5: {  	_ = 	snop  }
0x6: {  	_ = 	snop  }
0x7: {  	_ = 	snop  }
__scs_overlays_trampoline_lowered:
0x8: {  	[smem:$0x3F99] =	sst s0  }
0x9: {  	[smem:$0x3F9A] =	sst s1  }
0xa: {  	[smem:$0x3F9B] =	sst s2  }
0xb: {  	[smem:$0x3F9C] =	sst s3  }
0xc: {  	[smem:$0x3F9D] =	sst s4  }
0xd: {  	[smem:$0x3F9E] =	sst s5  }
0xe: {  	[smem:$0x3F9F] =	sst s6  }
0xf: {  	[smem:$0x3FA0] =	sst s7  }
0x10: {  	[smem:$0x3FA1] =	sst s8  }
0x11: {  	[smem:$0x3FA2] =	sst s9;
	s0 =	simm.s32 @!p0 $0x0  }
0x12: {  	s1 =	sld [smem:$0x3F88];
	s0 =	simm.s32 @p0 $0x1  }
0x13: {  	[smem:$0x3FA3] =	sst s0;
	s0 =	simm.s32 @!p1 $0x0  }
0x14: {  	s2 =	sld [smem:$0x3F87];
	s0 =	simm.s32 @p1 $0x1  }
0x15: {  	[smem:$0x3FA4] =	sst s0;
	s0 =	simm.s32 @!p2 $0x0  }
0x16: {  	s3 =	sld [smem:$0x3FDB];
	s0 =	simm.s32 @p2 $0x1  }
0x17: {  	s4 =	simm.s32 $0x1BF5;
	[smem:$0x3FA6] =	sst s0  }
0x18: {  	s0 =	sld [smem:$0x3F89];
	_ =	swait.ge [sflag:s4], $0x0  }
0x19: {  	s7 =	sld [smem:$0x3F8A]  }
0x1a: {  	s8 =	sadd.s32 $0xFFFFE003, lr  }
0x1b: {  	s9 =	sadd.s32 $0xFFFFFEF7, lr;
	s5 =	simm.s32 $0xFFFFFFFF;
	p2 =	slt.u32 s8, $0xFFFFF086  }
0x1c: {  	p1 =	slt.u32 s9, $0xF7A;
	s5 =	simm.s32 @!p2 $0x0  }
0x1d: {  	s5 =	simm.s32 @p1 $0x1;
	p0 =	seq.s32 s7, s2  }
0x1e: {  	s7 =	smul.u32 @!p0 $0xF7A, s2;
	p2 =	seq.s32 @!p0 s5, $0x0  }
0x1f: {  	s9 =	smul.u32 $0xF7A, s1;
	s8 =	simm.s32 @!p0 $0x1BF5;
	p2 =	por !p2, p0  }
0x20: {  	[sflag:s8] =	ssyncset.s32 @!p0 $0xFFFFF086;
	s6 =	sadd.s32 @!p0 s3, s7;
	s7 =	simm.s32 @!p0 $0x108  }
0x21: {  	s3 =	sadd.s32 s3, s9;
	s6 =	sadd.s32 @!p0 $0x88, s6;
	s7 =	simm.s32 @p2 $0x1082  }
0x22: {  	[simem:s7], [sflag:s8] =	dma.local @!p0 [hbm:s6], $0xF7A  }
0x23: {  	s9 =	sor.u32 $0xD0000000, s2;
	s6 =	simm.s32 $0x108;
	_ =	swait.ge @!p0 [sflag:s8], $0x0  }
0x24: {  	s3 =	sadd.s32 $0x88, s3;
	s6 =	simm.s32 @!p1 $0x1082;
	[sflag:s4] =	ssyncset.s32 $0xFFFFF086  }
0x25: {  	[simem:s6], [sflag:s4] =	dma.local [hbm:s3], $0xF7A  }
0x26: {  	[smem:$0x3F8A] =	sst s1;
	(tag) =	ssettag s2;
	_ =	strace s9  }
0x27: {  	s1 =	sld [smem:$0x3F9A]  }
0x28: {  	s2 =	sld [smem:$0x3F9B]  }
0x29: {  	s4 =	sld [smem:$0x3F9D]  }
0x2a: {  	p0 =	seq.s32 s5, $0x0;
	s5 =	sld [smem:$0x3F9E]  }
0x2b: {  	s6 =	sld [smem:$0x3F9F]  }
0x2c: {  	s7 =	sld [smem:$0x3FA0]  }
0x2d: {  	s3 =	simm.s32 $0x108;
	s8 =	sld [smem:$0x3FA1]  }
0x2e: {  	s3 =	simm.s32 @!p0 $0x1082;
	s9 =	sld [smem:$0x3FA2]  }
0x2f: {  	lr =	sadd.s32 s0, s3;
	s0 =	sld [smem:$0x3F99]  }
0x30: {  	s3 =	sld [smem:$0x3F9C]  }
0x31: {  	[smem:$0x3FA5] =	sst s10  }
0x32: {  	s10 =	sld [smem:$0x3FA3];
	_ =	sdelay $0x3  }
0x33: {  	p0 =	seq.s32 s10, $0x1;
	s10 =	sld [smem:$0x3FA5];
	_ =	sdelay $0x3  }
0x34: {  	[smem:$0x3FA5] =	sst s10  }
0x35: {  	s10 =	sld [smem:$0x3FA4];
	_ =	sdelay $0x3  }
0x36: {  	p1 =	seq.s32 s10, $0x1;
	s10 =	sld [smem:$0x3FA5];
	_ =	sdelay $0x3  }
0x37: {  	[smem:$0x3FA5] =	sst s10  }
0x38: {  	s10 =	sld [smem:$0x3FA6]  }
0x39: {  	_ = 	snop;
	(pc) =	sbr.ind lr, $3  }
0x3a: {  	_ = 	snop  }
0x3b: {  	_ = 	snop  }
0x3c: {  	p2 =	seq.s32 s10, $0x1;
	s10 =	sld [smem:$0x3FA5]  }
0x3d: {  	_ =	shalt  }
0x3e: {  	_ =	shalt  }
0x3f: {  	_ =	shalt  }
0x40: {  	_ =	shalt  }
0x41: {  	_ =	shalt  }
0x42: {  	_ =	shalt  }
0x43: {  	_ =	shalt  }
0x44: {  	_ =	shalt  }
0x45: {  	_ =	shalt  }
0x46: {  	_ =	shalt  }
0x47: {  	_ =	shalt  }
0x48: {  	_ =	shalt  }
0x49: {  	_ =	shalt  }
0x4a: {  	_ =	shalt  }
0x4b: {  	_ =	shalt  }
0x4c: {  	_ =	shalt  }
0x4d: {  	_ =	shalt  }
0x4e: {  	_ =	shalt  }
0x4f: {  	_ =	shalt  }
0x50: {  	_ =	shalt  }
0x51: {  	_ =	shalt  }
0x52: {  	_ =	shalt  }
0x53: {  	_ =	shalt  }
0x54: {  	_ =	shalt  }
0x55: {  	_ =	shalt  }
0x56: {  	_ =	shalt  }
0x57: {  	_ =	shalt  }
0x58: {  	_ =	shalt  }
0x59: {  	_ =	shalt  }
0x5a: {  	_ =	shalt  }
0x5b: {  	_ =	shalt  }
0x5c: {  	_ =	shalt  }
0x5d: {  	_ =	shalt  }
0x5e: {  	_ =	shalt  }
0x5f: {  	_ =	shalt  }
0x60: {  	_ =	shalt  }
0x61: {  	_ =	shalt  }
0x62: {  	_ =	shalt  }
0x63: {  	_ =	shalt  }
0x64: {  	_ =	shalt  }
0x65: {  	_ =	shalt  }
0x66: {  	_ =	shalt  }
0x67: {  	_ =	shalt  }
0x68: {  	_ =	shalt  }
0x69: {  	_ =	shalt  }
0x6a: {  	_ =	shalt  }
0x6b: {  	_ =	shalt  }
0x6c: {  	_ =	shalt  }
0x6d: {  	_ =	shalt  }
0x6e: {  	_ =	shalt  }
0x6f: {  	_ =	shalt  }
0x70: {  	_ =	shalt  }
0x71: {  	_ =	shalt  }
0x72: {  	_ =	shalt  }
0x73: {  	_ =	shalt  }
0x74: {  	_ =	shalt  }
0x75: {  	_ =	shalt  }
0x76: {  	_ =	shalt  }
0x77: {  	_ =	shalt  }
0x78: {  	_ =	shalt  }
0x79: {  	_ =	shalt  }
0x7a: {  	_ =	shalt  }
0x7b: {  	_ =	shalt  }
0x7c: {  	_ =	shalt  }
0x7d: {  	_ =	shalt  }
0x7e: {  	_ =	shalt  }
0x7f: {  	_ =	shalt  }
0x80: {  	_ =	shalt  }
0x81: {  	_ =	shalt  }
0x82: {  	_ =	shalt  }
0x83: {  	_ =	shalt  }
0x84: {  	_ =	shalt  }
0x85: {  	_ =	shalt  }
0x86: {  	_ =	shalt  }
0x87: {  	_ =	shalt  }
.Lfunc_end0:
.L_simem_size_0:
called_computation.3_lowered:
.L_overlay_start_0:
0x88: {  	s2 =	sld [smem:$0x3FD9]  }
0x89: {  	s3 =	sld [smem:$0x3FFE];
	_ =	sdelay $0x1  }
0x8a: {  	s1 =	srdreg.scid  }
0x8b: {  	s0 =	sand.u32 $0x1, s1  }
0x8c: {  	s17 =	sshll.u32 s0, $0xA;
	s2 =	sadd.s32 s3, s2  }
0x8d: {  	s2 =	sadd.s32 s2, s17  }
0x8e: {  	[smem:$0x3FB1] =	sst s2  }
0x8f: {  	_ = 	snop  }
0x90: {  	s18 =	sld [smem:$0x3FC7];
	(tm) =	ssettm $0x1  }
0x91: {  	s19 =	sld [smem:$0x3FFB];
	_ =	sdelay $0x3  }
0x92: {  	_ =	strace s19  }
0x93: {  	s2 =	sld [smem:$0x3FFC];
	_ =	sdelay $0x3  }
0x94: {  	_ =	strace s2  }
0x95: {  	s2 =	sld [smem:$0x3FFD];
	_ =	sdelay $0x3  }
0x96: {  	_ =	strace s2  }
0x97: {  	_ =	strace $0x8FFFFFFF  }
0x98: {  	s20 =	sld [smem:$0x3FDB];
	_ =	sdelay $0x1  }
0x99: {  	s4 =	simm.s32 $_scs_section_size  }
0x9a: {  	s5 =	simm.s32 $_size__tile_overlayer_lowered;
	s6 =	simm.s32 $_tile_overlayer_lowered  }
0x9b: {  	s7 =	simm.s32 $0x1BFF;
	s21 =	sshll.u32 s6, $0x1;
	s4 =	sadd.s32 s4, s20  }
0x9c: {  	s22 =	simm.s32 $0x0;
	s5 =	sshll.u32 s5, $0x1;
	s6 =	sadd.s32 s21, s4  }
0x9d: {  	[timem:s22], [sflag:s7] =	dma.local [hbm:s6], s5  }
0x9e: {  	_ =	swait.ge [sflag:s7], s5  }
0x9f: {  	s5 =	ssub.s32 $0x0, s5;
	[sflag:s7] =	ssyncset.done $0x0  }
0xa0: {  	[sflag:s7] =	ssyncadd.s32 s5;
	_ =	sdelay $0x1  }
0xa1: {  	s23 =	simm.s32 $0x1B8B  }
0xa2: {  	_ =	swait.ge [sflag:s23], $0x1  }
0xa3: {  	[sflag:s23] =	ssyncset.done $0x0  }
0xa4: {  	[sflag:s23] =	ssyncadd.s32 $0xFFFFFFFF  }
0xa5: {  	s5 =	sld [smem:$0x0]  }
0xa6: {  	s6 =	sand.u32 $0xFFFFFFFE, s1  }
0xa7: {  	p0 =	sne.s32 s1, s6  }
0xa8: {  	s6 =	sshll.u32 @p0 s6, $0xE  }
0xa9: {  	s6 =	sadd.s32 @p0 $0x11B8D, s6;
	s7 =	sshll.u32 @p0 s5, $0x11  }
0xaa: {  	s6 =	sor.u32 @p0 s7, s6  }
0xab: {  	[sflag:s6] =	ssyncadd.remote.s32 @p0 $0x1;
	_ =	sdelay $0x1  }
0xac: {  	s6 =	simm.s32 @p0 $0x1B8D  }
0xad: {  	_ =	swait.eq @p0 [sflag:s6], $0x1  }
0xae: {  	[sflag:s6] =	ssyncadd.s32 @p0 $0xFFFFFFFF  }
0xaf: {  	s7 =	sshll.u32 @!p0 s1, $0xE  }
0xb0: {  	s7 =	sor.u32 @!p0 $0x4000, s7;
	s6 =	simm.s32 @!p0 $0x1B8D  }
0xb1: {  	s5 =	sshll.u32 @!p0 s5, $0x11;
	s7 =	sadd.s32 @!p0 $0x11B8D, s7;
	_ =	swait.eq @!p0 [sflag:s6], $0x1  }
0xb2: {  	s5 =	sor.u32 @!p0 s5, s7;
	[sflag:s6] =	ssyncadd.s32 @!p0 $0xFFFFFFFF  }
0xb3: {  	s25 =	simm.s32 $0x1B8E;
	s24 =	sld [smem:$0x3FFE];
	[sflag:s5] =	ssyncadd.remote.s32 @!p0 $0x1  }
0xb4: {  	s26 =	simm.s32 $execute0_lowered;
	[smem:$0x3FD2] =	sst s25  }
0xb5: {  	s6 =	sshll.u32 s26, $0x1;
	_ =	strace $0x8000004C;
	[dreg:$0x1] =	wrdreg $0xFFFFFFFF  }
0xb6: {  	s28 =	simm.s32 $_size_execute0_lowered;
	s4 =	sadd.s32 s4, s6;
	[dreg:$0x0] =	wrdreg $0x0  }
0xb7: {  	s6 =	sshll.u32 s28, $0x1;
	[dreg:$0x2] =	wrdreg s4  }
0xb8: {  	[dreg:$0x3] =	wrdreg s6  }
0xb9: {  	[dreg:$0x4] =	wrdreg $0xC0  }
0xba: {  	_ =	task [dreg:s22], $0x5FFFF  }
0xbb: {  	[dreg:$0x1] =	wrdreg $0xFFFFFFFF  }
0xbc: {  	[dreg:$0x0] =	wrdreg $0x60  }
0xbd: {  	[dreg:$0x2] =	wrdreg s18  }
0xbe: {  	[dreg:$0x3] =	wrdreg s24  }
0xbf: {  	[dreg:$0x4] =	wrdreg $0xC  }
0xc0: {  	_ =	task.clear_ibuf [dreg:s22], $0x5FFFF;
	_ =	strace $0x9000004C  }
0xc1: {  	s29 =	simm.s32 $0xC;
	_ =	strace $0x8000004E  }
0xc2: {  	_ =	swait.ge [sflag:s29], $0x1  }
0xc3: {  	[sflag:s29] =	ssyncadd.s32 $0xFFFFFFFF  }
0xc4: {  	_ =	strace $0x9000004E  }
0xc5: {  	_ =	sfence  }
0xc6: {  	s30 =	sld [smem:$0x0];
	_ =	sdelay $0x2  }
0xc7: {  	s31 =	sshll.u32 s1, $0xD;
	s1 =	sshrl.u32 s1, $0x2  }
0xc8: {  	s4 =	sand.u32 $0x4000, s31;
	s1 =	sadd.s32 s1, s30  }
0xc9: {  	s0 =	sor.u32 s4, s0;
	s1 =	sshll.u32 s1, $0x11  }
0xca: {  	s0 =	sor.u32 s1, s0  }
0xcb: {  	s0 =	sadd.s32 $0x8F2B, s0  }
0xcc: {  	[sflag:s0] =	ssyncadd.remote.s32 $0x1  }
0xcd: {  	_ =	sfence.sel $0xFFFF  }
0xce: {  	[dreg:$0x0] =	wrdreg $0xFFFFFFFF;
	(pc) =	sbr.abs _section_cstart, $3  }
0xcf: {  	[dreg:$0x1] =	wrdreg $0xFFFFFFFF  }
0xd0: {  	_ =	task.clear_ibuf [dreg:s22], $0x2FFFF;
	_ =	strace $0x9FFFFFFF  }
0xd1: {  	(tm) =	ssettm $0x7FFFFFFF  }
tec
execute0_lowered:
.L_overlay_start_1:
0x0: {  	(tag) =	ssettag $0x1  }
0x1: {  	s1 =	srdreg.scid;
	s0 =	stileid.u32  }
0x2: {  	s2 =	rddreg [dreg:$0x0];
	s6 =	sand.u32 $0x1, s1;
	s30 =	sshll.u32 s0, $0x1  }
0x3: {  	s9 =	rddreg [dreg:$0x1];
	s7 =	sor.u32 s6, s30  }
0x4: {  	s3 =	simm.s32 $0x0;
	s1 =	rddreg [dreg:$0x2];
	s4 =	smul.u32 $0x28, s7  }
0x5: {  	s8 =	simm.s32 $0x1;
	[smem:$0x7FF] =	sst s3  }
0x6: {  	_ =	strace $0x8000004D;
	s11 =	ssub.s32 $0x2, s6;
	s4 =	sadd.s32 s4, s9  }
0x7: {  	s6 =	simm.s32 $0x140;
	s5 =	sadd.s32 $0x78200, s4;
	s4 =	simm.s32 $0x2  }
0x8: {  	[tilespmem:s3], [sflag:$0x2] =	stream.linear.gather [hbm4b:s5+s3], $0x140, $0x38;
	[tilespmem:$0xA180] =	vst v63  }
0x9: {  	s10 =	smul.u32 $0x1400, s7;
	s12 =	sshrl.u32 s11, $0x1;
	_ =	swait.ge [sflag:s4], $0x140  }
0xa: {  	s7 =	simm.s32 $0x180;
	s31 =	ssub.s32 s11, s12;
	[sflag:s4] =	ssyncset.done $0x0  }
0xb: {  	s9 =	sadd.s32 s10, s9;
	s10 =	smax.u32 s31, $0x1;
	[sflag:s4] =	ssyncadd.s32 $0xFFFFFEC0  }
0xc: {  	[tilespmem:s7], [sflag:$0x1] =	stream.indirect.gather [hbm4b:s2+s6], $0x80, s3, s6, $0xb8;
	[tilespmem:$0xA180] =	vst v63  }
0xd: {  	p0 =	sne.s32 s10, $0x1;
	_ =	swait.ge [sflag:s8], $0xA000  }
.Ltmp0:
0xe: {  	[sflag:s8] =	ssyncset.done $0x0;
	(pc) =	sbr.rel @!p0 .LBB2_2-.Ltmp0, $4  }
0xf: {  	s9 =	sadd.s32 $0x78800, s9;
	[sflag:s8] =	ssyncadd.s32 $0xFFFF6000  }
0x10: {  	[hbm4b:s9+s3] =	stream.linear.scatter [tilespmem:s7], [sflag:$0x2], $0xA000, $0x38;
	[tilespmem:$0xA180] =	vst v63  }
0x11: {  	_ =	swait.ge [sflag:s4], $0xA000  }
0x12: {  	s10 =	sadd.s32 $0xFFFFFFFF, s10;
	[sflag:s4] =	ssyncset.done $0x0  }
.LBB2_1:
0x13: {  	p0 =	sne.s32 s10, $0x1;
	s10 =	sadd.s32 $0xFFFFFFFF, s10;
	[sflag:s4] =	ssyncadd.s32 $0xFFFF6000  }
0x14: {  	[tilespmem:s3], [sflag:$0x2] =	stream.linear.gather [hbm4b:s5+s3], $0x140, $0x38;
	[tilespmem:$0xA180] =	vst v63  }
0x15: {  	_ =	swait.ge [sflag:s4], $0x140  }
0x16: {  	[sflag:s4] =	ssyncset.done $0x0  }
0x17: {  	[sflag:s4] =	ssyncadd.s32 $0xFFFFFEC0  }
0x18: {  	[tilespmem:s7], [sflag:$0x1] =	stream.indirect.gather [hbm4b:s2+s6], $0x80, s3, s6, $0xb8;
	[tilespmem:$0xA180] =	vst v63  }
0x19: {  	_ =	swait.ge [sflag:s8], $0xA000  }
.Ltmp1:
0x1a: {  	[sflag:s8] =	ssyncset.done $0x0;
	(pc) =	sbr.rel @p0 .LBB2_1-.Ltmp1, $4  }
0x1b: {  	[sflag:s8] =	ssyncadd.s32 $0xFFFF6000  }
0x1c: {  	[hbm4b:s9+s3] =	stream.linear.scatter [tilespmem:s7], [sflag:$0x2], $0xA000, $0x38;
	[tilespmem:$0xA180] =	vst v63  }
0x1d: {  	_ =	swait.ge [sflag:s4], $0xA000  }
0x1e: {  	[sflag:s4] =	ssyncset.done $0x0  }
.LBB2_2:
0x1f: {  	[sflag:s4] =	ssyncadd.s32 $0xFFFF6000  }
0x20: {  	_ =	sfence.sel $0x180000  }
0x21: {  	[bflag:$0x0] =	sbarrier.arrive $0xFFFF  }
0x22: {  	p0 =	sne.s32 s0, $0x0;
	_ =	strace $0x9000004D  }
0x23: {  	s0 =	sadd.s32 @!p0 $0x100000, s1;
	[bflag:$0x2] =	sbarrier.arrive $0xFFFF  }
0x24: {  	[sflag:s0] =	ssyncadd.tile.s32 @!p0 $0x1;
	_ =	shalt  }
.Lfunc_end2:
_tile_overlayer_lowered:
.L_overlay_start_2:
0x25: {  	(tag) =	ssettag $0x2  }
0x26: {  	s0 =	rddreg [dreg:$0x0];
	s2 =	stileid.u32  }
0x27: {  	s1 =	rddreg [dreg:$0x1];
	p0 =	sne.s32 s2, $0x0  }
0x28: {  	s3 =	rddreg [dreg:$0x2];
	[bflag:$0x3] =	sbarrier.arrive $0xFFFF;
	s2 =	simm.s32 @!p0 $0x1C02  }
0x29: {  	[timem:s3], [sflag:s2] =	dma.local @!p0 [hbm:s0], s1  }
0x2a: {  	s0 =	simm.s32 @!p0 $0x2  }
0x2b: {  	_ =	swait.ge @!p0 [sflag:s0], s1  }
0x2c: {  	s1 =	ssub.s32 @!p0 $0x0, s1;
	[sflag:s0] =	ssyncset.done @!p0 $0x0  }
0x2d: {  	[sflag:s0] =	ssyncadd.s32 @!p0 s1  }
0x2e: {  	[bflag:$0x3] =	sbarrier.arrive $0xFFFF  }
0x2f: {  	_ =	shalt  }

// kernel: kernel.13.cloned.1.call-start
scs
__scs_entry_jumppad:
0x0: {  	(pc) =	sbr.rel $0x88, $3  }
0x1: {  	(tag) =	ssettag $0x0;
	lr =	simm.s32 $0x1  }
0x2: {  	[smem:$0x3F8A] =	sst lr;
	_ =	strace $0xD0000000  }
0x3: {  	_ = 	snop  }
0x4: {  	_ = 	snop  }
0x5: {  	_ = 	snop  }
0x6: {  	_ = 	snop  }
0x7: {  	_ = 	snop  }
__scs_overlays_trampoline_lowered:
0x8: {  	[smem:$0x3F99] =	sst s0  }
0x9: {  	[smem:$0x3F9A] =	sst s1  }
0xa: {  	[smem:$0x3F9B] =	sst s2  }
0xb: {  	[smem:$0x3F9C] =	sst s3  }
0xc: {  	[smem:$0x3F9D] =	sst s4  }
0xd: {  	[smem:$0x3F9E] =	sst s5  }
0xe: {  	[smem:$0x3F9F] =	sst s6  }
0xf: {  	[smem:$0x3FA0] =	sst s7  }
0x10: {  	[smem:$0x3FA1] =	sst s8  }
0x11: {  	[smem:$0x3FA2] =	sst s9;
	s0 =	simm.s32 @!p0 $0x0  }
0x12: {  	s1 =	sld [smem:$0x3F88];
	s0 =	simm.s32 @p0 $0x1  }
0x13: {  	[smem:$0x3FA3] =	sst s0;
	s0 =	simm.s32 @!p1 $0x0  }
0x14: {  	s2 =	sld [smem:$0x3F87];
	s0 =	simm.s32 @p1 $0x1  }
0x15: {  	[smem:$0x3FA4] =	sst s0;
	s0 =	simm.s32 @!p2 $0x0  }
0x16: {  	s3 =	sld [smem:$0x3FDB];
	s0 =	simm.s32 @p2 $0x1  }
0x17: {  	s4 =	simm.s32 $0x1BF5;
	[smem:$0x3FA6] =	sst s0  }
0x18: {  	s0 =	sld [smem:$0x3F89];
	_ =	swait.ge [sflag:s4], $0x0  }
0x19: {  	s7 =	sld [smem:$0x3F8A]  }
0x1a: {  	s8 =	sadd.s32 $0xFFFFE003, lr  }
0x1b: {  	s9 =	sadd.s32 $0xFFFFFEF7, lr;
	s5 =	simm.s32 $0xFFFFFFFF;
	p2 =	slt.u32 s8, $0xFFFFF086  }
0x1c: {  	p1 =	slt.u32 s9, $0xF7A;
	s5 =	simm.s32 @!p2 $0x0  }
0x1d: {  	s5 =	simm.s32 @p1 $0x1;
	p0 =	seq.s32 s7, s2  }
0x1e: {  	s7 =	smul.u32 @!p0 $0xF7A, s2;
	p2 =	seq.s32 @!p0 s5, $0x0  }
0x1f: {  	s9 =	smul.u32 $0xF7A, s1;
	s8 =	simm.s32 @!p0 $0x1BF5;
	p2 =	por !p2, p0  }
0x20: {  	[sflag:s8] =	ssyncset.s32 @!p0 $0xFFFFF086;
	s6 =	sadd.s32 @!p0 s3, s7;
	s7 =	simm.s32 @!p0 $0x108  }
0x21: {  	s3 =	sadd.s32 s3, s9;
	s6 =	sadd.s32 @!p0 $0x88, s6;
	s7 =	simm.s32 @p2 $0x1082  }
0x22: {  	[simem:s7], [sflag:s8] =	dma.local @!p0 [hbm:s6], $0xF7A  }
0x23: {  	s9 =	sor.u32 $0xD0000000, s2;
	s6 =	simm.s32 $0x108;
	_ =	swait.ge @!p0 [sflag:s8], $0x0  }
0x24: {  	s3 =	sadd.s32 $0x88, s3;
	s6 =	simm.s32 @!p1 $0x1082;
	[sflag:s4] =	ssyncset.s32 $0xFFFFF086  }
0x25: {  	[simem:s6], [sflag:s4] =	dma.local [hbm:s3], $0xF7A  }
0x26: {  	[smem:$0x3F8A] =	sst s1;
	(tag) =	ssettag s2;
	_ =	strace s9  }
0x27: {  	s1 =	sld [smem:$0x3F9A]  }
0x28: {  	s2 =	sld [smem:$0x3F9B]  }
0x29: {  	s4 =	sld [smem:$0x3F9D]  }
0x2a: {  	p0 =	seq.s32 s5, $0x0;
	s5 =	sld [smem:$0x3F9E]  }
0x2b: {  	s6 =	sld [smem:$0x3F9F]  }
0x2c: {  	s7 =	sld [smem:$0x3FA0]  }
0x2d: {  	s3 =	simm.s32 $0x108;
	s8 =	sld [smem:$0x3FA1]  }
0x2e: {  	s3 =	simm.s32 @!p0 $0x1082;
	s9 =	sld [smem:$0x3FA2]  }
0x2f: {  	lr =	sadd.s32 s0, s3;
	s0 =	sld [smem:$0x3F99]  }
0x30: {  	s3 =	sld [smem:$0x3F9C]  }
0x31: {  	[smem:$0x3FA5] =	sst s10  }
0x32: {  	s10 =	sld [smem:$0x3FA3];
	_ =	sdelay $0x3  }
0x33: {  	p0 =	seq.s32 s10, $0x1;
	s10 =	sld [smem:$0x3FA5];
	_ =	sdelay $0x3  }
0x34: {  	[smem:$0x3FA5] =	sst s10  }
0x35: {  	s10 =	sld [smem:$0x3FA4];
	_ =	sdelay $0x3  }
0x36: {  	p1 =	seq.s32 s10, $0x1;
	s10 =	sld [smem:$0x3FA5];
	_ =	sdelay $0x3  }
0x37: {  	[smem:$0x3FA5] =	sst s10  }
0x38: {  	s10 =	sld [smem:$0x3FA6]  }
0x39: {  	_ = 	snop;
	(pc) =	sbr.ind lr, $3  }
0x3a: {  	_ = 	snop  }
0x3b: {  	_ = 	snop  }
0x3c: {  	p2 =	seq.s32 s10, $0x1;
	s10 =	sld [smem:$0x3FA5]  }
0x3d: {  	_ =	shalt  }
0x3e: {  	_ =	shalt  }
0x3f: {  	_ =	shalt  }
0x40: {  	_ =	shalt  }
0x41: {  	_ =	shalt  }
0x42: {  	_ =	shalt  }
0x43: {  	_ =	shalt  }
0x44: {  	_ =	shalt  }
0x45: {  	_ =	shalt  }
0x46: {  	_ =	shalt  }
0x47: {  	_ =	shalt  }
0x48: {  	_ =	shalt  }
0x49: {  	_ =	shalt  }
0x4a: {  	_ =	shalt  }
0x4b: {  	_ =	shalt  }
0x4c: {  	_ =	shalt  }
0x4d: {  	_ =	shalt  }
0x4e: {  	_ =	shalt  }
0x4f: {  	_ =	shalt  }
0x50: {  	_ =	shalt  }
0x51: {  	_ =	shalt  }
0x52: {  	_ =	shalt  }
0x53: {  	_ =	shalt  }
0x54: {  	_ =	shalt  }
0x55: {  	_ =	shalt  }
0x56: {  	_ =	shalt  }
0x57: {  	_ =	shalt  }
0x58: {  	_ =	shalt  }
0x59: {  	_ =	shalt  }
0x5a: {  	_ =	shalt  }
0x5b: {  	_ =	shalt  }
0x5c: {  	_ =	shalt  }
0x5d: {  	_ =	shalt  }
0x5e: {  	_ =	shalt  }
0x5f: {  	_ =	shalt  }
0x60: {  	_ =	shalt  }
0x61: {  	_ =	shalt  }
0x62: {  	_ =	shalt  }
0x63: {  	_ =	shalt  }
0x64: {  	_ =	shalt  }
0x65: {  	_ =	shalt  }
0x66: {  	_ =	shalt  }
0x67: {  	_ =	shalt  }
0x68: {  	_ =	shalt  }
0x69: {  	_ =	shalt  }
0x6a: {  	_ =	shalt  }
0x6b: {  	_ =	shalt  }
0x6c: {  	_ =	shalt  }
0x6d: {  	_ =	shalt  }
0x6e: {  	_ =	shalt  }
0x6f: {  	_ =	shalt  }
0x70: {  	_ =	shalt  }
0x71: {  	_ =	shalt  }
0x72: {  	_ =	shalt  }
0x73: {  	_ =	shalt  }
0x74: {  	_ =	shalt  }
0x75: {  	_ =	shalt  }
0x76: {  	_ =	shalt  }
0x77: {  	_ =	shalt  }
0x78: {  	_ =	shalt  }
0x79: {  	_ =	shalt  }
0x7a: {  	_ =	shalt  }
0x7b: {  	_ =	shalt  }
0x7c: {  	_ =	shalt  }
0x7d: {  	_ =	shalt  }
0x7e: {  	_ =	shalt  }
0x7f: {  	_ =	shalt  }
0x80: {  	_ =	shalt  }
0x81: {  	_ =	shalt  }
0x82: {  	_ =	shalt  }
0x83: {  	_ =	shalt  }
0x84: {  	_ =	shalt  }
0x85: {  	_ =	shalt  }
0x86: {  	_ =	shalt  }
0x87: {  	_ =	shalt  }
.Lfunc_end0:
.L_simem_size_0:
called_computation.4_lowered:
.L_overlay_start_0:
0x88: {  	s2 =	sld [smem:$0x3FD9]  }
0x89: {  	s3 =	sld [smem:$0x3FFE];
	_ =	sdelay $0x1  }
0x8a: {  	s1 =	srdreg.scid  }
0x8b: {  	s0 =	sand.u32 $0x1, s1  }
0x8c: {  	s16 =	sshll.u32 s0, $0xA;
	s2 =	sadd.s32 s3, s2  }
0x8d: {  	s2 =	sadd.s32 s2, s16  }
0x8e: {  	[smem:$0x3FB1] =	sst s2  }
0x8f: {  	_ = 	snop  }
0x90: {  	(tm) =	ssettm $0x1  }
0x91: {  	s17 =	sld [smem:$0x3FFB];
	_ =	sdelay $0x3  }
0x92: {  	_ =	strace s17  }
0x93: {  	s2 =	sld [smem:$0x3FFC];
	_ =	sdelay $0x3  }
0x94: {  	_ =	strace s2  }
0x95: {  	s2 =	sld [smem:$0x3FFD];
	_ =	sdelay $0x3  }
0x96: {  	_ =	strace s2  }
0x97: {  	_ =	strace $0x8FFFFFFF  }
0x98: {  	s18 =	sld [smem:$0x3FDB];
	_ =	sdelay $0x1  }
0x99: {  	s19 =	simm.s32 $_scs_section_size  }
0x9a: {  	s4 =	simm.s32 $_size__tile_overlayer_lowered;
	s5 =	simm.s32 $_tile_overlayer_lowered  }
0x9b: {  	s22 =	simm.s32 $0x1BFF;
	s21 =	sshll.u32 s5, $0x1;
	s2 =	sadd.s32 s19, s18  }
0x9c: {  	s6 =	simm.s32 $0x0;
	s20 =	sshll.u32 s4, $0x1;
	s4 =	sadd.s32 s21, s2  }
0x9d: {  	[timem:s6], [sflag:s22] =	dma.local [hbm:s4], s20  }
0x9e: {  	_ =	swait.ge [sflag:s22], s20  }
0x9f: {  	s3 =	ssub.s32 $0x0, s20;
	[sflag:s22] =	ssyncset.done $0x0  }
0xa0: {  	[sflag:s22] =	ssyncadd.s32 s3;
	_ =	sdelay $0x1  }
0xa1: {  	s23 =	simm.s32 $0x1B8B  }
0xa2: {  	_ =	swait.ge [sflag:s23], $0x1  }
0xa3: {  	[sflag:s23] =	ssyncset.done $0x0  }
0xa4: {  	s25 =	simm.s32 $0x1B8E;
	s24 =	sld [smem:$0x3FFE];
	[sflag:s23] =	ssyncadd.s32 $0xFFFFFFFF  }
0xa5: {  	s26 =	simm.s32 $execute0_lowered;
	[smem:$0x3FD2] =	sst s25  }
0xa6: {  	s4 =	sshll.u32 s26, $0x1;
	_ =	strace $0x80000052;
	[dreg:$0x1] =	wrdreg $0xFFFFFFFF  }
0xa7: {  	s28 =	simm.s32 $_size_execute0_lowered;
	s2 =	sadd.s32 s2, s4;
	[dreg:$0x0] =	wrdreg $0x0  }
0xa8: {  	s4 =	sshll.u32 s28, $0x1;
	[dreg:$0x2] =	wrdreg s2  }
0xa9: {  	[dreg:$0x3] =	wrdreg s4  }
0xaa: {  	[dreg:$0x4] =	wrdreg $0xC0  }
0xab: {  	_ =	task [dreg:s6], $0x5FFFF  }
0xac: {  	[dreg:$0x1] =	wrdreg $0xFFFFFFFF  }
0xad: {  	[dreg:$0x0] =	wrdreg $0x60  }
0xae: {  	[dreg:$0x2] =	wrdreg s24  }
0xaf: {  	[dreg:$0x3] =	wrdreg $0x9  }
0xb0: {  	_ =	task.clear_ibuf [dreg:s6], $0x4FFFF;
	_ =	strace $0x90000052  }
0xb1: {  	s29 =	simm.s32 $0x9;
	_ =	strace $0x80000054  }
0xb2: {  	_ =	swait.ge [sflag:s29], $0x1  }
0xb3: {  	[sflag:s29] =	ssyncadd.s32 $0xFFFFFFFF  }
0xb4: {  	_ =	strace $0x90000054  }
0xb5: {  	_ =	sfence  }
0xb6: {  	s30 =	sld [smem:$0x0];
	_ =	sdelay $0x2  }
0xb7: {  	s31 =	sshll.u32 s1, $0xD;
	s1 =	sshrl.u32 s1, $0x2  }
0xb8: {  	s3 =	sand.u32 $0x4000, s31;
	s1 =	sadd.s32 s1, s30  }
0xb9: {  	s0 =	sor.u32 s3, s0;
	s1 =	sshll.u32 s1, $0x11  }
0xba: {  	s0 =	sor.u32 s1, s0  }
0xbb: {  	s0 =	sadd.s32 $0x8F2B, s0  }
0xbc: {  	[sflag:s0] =	ssyncadd.remote.s32 $0x1  }
0xbd: {  	_ =	sfence.sel $0xFFFF  }
0xbe: {  	[dreg:$0x0] =	wrdreg $0xFFFFFFFF;
	(pc) =	sbr.abs _section_cstart, $3  }
0xbf: {  	[dreg:$0x1] =	wrdreg $0xFFFFFFFF  }
0xc0: {  	_ =	task.clear_ibuf [dreg:s6], $0x2FFFF;
	_ =	strace $0x9FFFFFFF  }
0xc1: {  	(tm) =	ssettm $0x7FFFFFFF  }
tec
execute0_lowered:
.L_overlay_start_1:
0x0: {  	(tag) =	ssettag $0x1  }
0x1: {  	s1 =	srdreg.scid;
	s0 =	stileid.u32  }
0x2: {  	s6 =	sand.u32 $0x1, s1;
	s30 =	sshll.u32 s0, $0x1  }
0x3: {  	s9 =	rddreg [dreg:$0x0];
	s7 =	sor.u32 s6, s30  }
0x4: {  	s2 =	simm.s32 $0x0;
	s1 =	rddreg [dreg:$0x1];
	s3 =	smul.u32 $0x28, s7  }
0x5: {  	s8 =	simm.s32 $0x1;
	[smem:$0x7FF] =	sst s2;
	s5 =	sadd.s32 $0x78200, s9  }
0x6: {  	_ =	strace $0x80000053;
	s11 =	ssub.s32 $0x2, s6;
	s3 =	sadd.s32 s3, s9  }
0x7: {  	s6 =	simm.s32 $0x140;
	s4 =	sadd.s32 $0xCB800, s3;
	s3 =	simm.s32 $0x2  }
0x8: {  	[tilespmem:s2], [sflag:$0x2] =	stream.linear.gather [hbm4b:s4+s2], $0x140, $0x38;
	[tilespmem:$0xA180] =	vst v63  }
0x9: {  	s10 =	smul.u32 $0x1400, s7;
	s12 =	sshrl.u32 s11, $0x1;
	_ =	swait.ge [sflag:s3], $0x140  }
0xa: {  	s7 =	simm.s32 $0x180;
	s31 =	ssub.s32 s11, s12;
	[sflag:s3] =	ssyncset.done $0x0  }
0xb: {  	s9 =	sadd.s32 s10, s9;
	s10 =	smax.u32 s31, $0x1;
	[sflag:s3] =	ssyncadd.s32 $0xFFFFFEC0  }
0xc: {  	[tilespmem:s7], [sflag:$0x1] =	stream.indirect.gather [hbm4b:s5+s6], $0x80, s2, s6, $0xb8;
	[tilespmem:$0xA180] =	vst v63  }
0xd: {  	p0 =	sne.s32 s10, $0x1;
	_ =	swait.ge [sflag:s8], $0xA000  }
.Ltmp0:
0xe: {  	[sflag:s8] =	ssyncset.done $0x0;
	(pc) =	sbr.rel @!p0 .LBB2_2-.Ltmp0, $4  }
0xf: {  	s9 =	sadd.s32 $0xA0200, s9;
	[sflag:s8] =	ssyncadd.s32 $0xFFFF6000  }
0x10: {  	[hbm4b:s9+s2] =	stream.linear.scatter [tilespmem:s7], [sflag:$0x2], $0xA000, $0x38;
	[tilespmem:$0xA180] =	vst v63  }
0x11: {  	_ =	swait.ge [sflag:s3], $0xA000  }
0x12: {  	s10 =	sadd.s32 $0xFFFFFFFF, s10;
	[sflag:s3] =	ssyncset.done $0x0  }
.LBB2_1:
0x13: {  	p0 =	sne.s32 s10, $0x1;
	s10 =	sadd.s32 $0xFFFFFFFF, s10;
	[sflag:s3] =	ssyncadd.s32 $0xFFFF6000  }
0x14: {  	[tilespmem:s2], [sflag:$0x2] =	stream.linear.gather [hbm4b:s4+s2], $0x140, $0x38;
	[tilespmem:$0xA180] =	vst v63  }
0x15: {  	_ =	swait.ge [sflag:s3], $0x140  }
0x16: {  	[sflag:s3] =	ssyncset.done $0x0  }
0x17: {  	[sflag:s3] =	ssyncadd.s32 $0xFFFFFEC0  }
0x18: {  	[tilespmem:s7], [sflag:$0x1] =	stream.indirect.gather [hbm4b:s5+s6], $0x80, s2, s6, $0xb8;
	[tilespmem:$0xA180] =	vst v63  }
0x19: {  	_ =	swait.ge [sflag:s8], $0xA000  }
.Ltmp1:
0x1a: {  	[sflag:s8] =	ssyncset.done $0x0;
	(pc) =	sbr.rel @p0 .LBB2_1-.Ltmp1, $4  }
0x1b: {  	[sflag:s8] =	ssyncadd.s32 $0xFFFF6000  }
0x1c: {  	[hbm4b:s9+s2] =	stream.linear.scatter [tilespmem:s7], [sflag:$0x2], $0xA000, $0x38;
	[tilespmem:$0xA180] =	vst v63  }
0x1d: {  	_ =	swait.ge [sflag:s3], $0xA000  }
0x1e: {  	[sflag:s3] =	ssyncset.done $0x0  }
.LBB2_2:
0x1f: {  	[sflag:s3] =	ssyncadd.s32 $0xFFFF6000  }
0x20: {  	_ =	sfence.sel $0x180000  }
0x21: {  	[bflag:$0x0] =	sbarrier.arrive $0xFFFF  }
0x22: {  	p0 =	sne.s32 s0, $0x0;
	_ =	strace $0x90000053  }
0x23: {  	s0 =	sadd.s32 @!p0 $0x100000, s1;
	[bflag:$0x2] =	sbarrier.arrive $0xFFFF  }
0x24: {  	[sflag:s0] =	ssyncadd.tile.s32 @!p0 $0x1;
	_ =	shalt  }
.Lfunc_end2:
_tile_overlayer_lowered:
.L_overlay_start_2:
0x25: {  	(tag) =	ssettag $0x2  }
0x26: {  	s0 =	rddreg [dreg:$0x0];
	s2 =	stileid.u32  }
0x27: {  	s1 =	rddreg [dreg:$0x1];
	p0 =	sne.s32 s2, $0x0  }
0x28: {  	s3 =	rddreg [dreg:$0x2];
	[bflag:$0x3] =	sbarrier.arrive $0xFFFF;
	s2 =	simm.s32 @!p0 $0x1C02  }
0x29: {  	[timem:s3], [sflag:s2] =	dma.local @!p0 [hbm:s0], s1  }
0x2a: {  	s0 =	simm.s32 @!p0 $0x2  }
0x2b: {  	_ =	swait.ge @!p0 [sflag:s0], s1  }
0x2c: {  	s1 =	ssub.s32 @!p0 $0x0, s1;
	[sflag:s0] =	ssyncset.done @!p0 $0x0  }
0x2d: {  	[sflag:s0] =	ssyncadd.s32 @!p0 s1  }
0x2e: {  	[bflag:$0x3] =	sbarrier.arrive $0xFFFF  }
0x2f: {  	_ =	shalt  }

// kernel: kernel.7.cloned.1.call-start
scs
__scs_entry_jumppad:
0x0: {  	(pc) =	sbr.rel $0x88, $3  }
0x1: {  	(tag) =	ssettag $0x0;
	lr =	simm.s32 $0x1  }
0x2: {  	[smem:$0x3F8A] =	sst lr;
	_ =	strace $0xD0000000  }
0x3: {  	_ = 	snop  }
0x4: {  	_ = 	snop  }
0x5: {  	_ = 	snop  }
0x6: {  	_ = 	snop  }
0x7: {  	_ = 	snop  }
__scs_overlays_trampoline_lowered:
0x8: {  	[smem:$0x3F99] =	sst s0  }
0x9: {  	[smem:$0x3F9A] =	sst s1  }
0xa: {  	[smem:$0x3F9B] =	sst s2  }
0xb: {  	[smem:$0x3F9C] =	sst s3  }
0xc: {  	[smem:$0x3F9D] =	sst s4  }
0xd: {  	[smem:$0x3F9E] =	sst s5  }
0xe: {  	[smem:$0x3F9F] =	sst s6  }
0xf: {  	[smem:$0x3FA0] =	sst s7  }
0x10: {  	[smem:$0x3FA1] =	sst s8  }
0x11: {  	[smem:$0x3FA2] =	sst s9;
	s0 =	simm.s32 @!p0 $0x0  }
0x12: {  	s1 =	sld [smem:$0x3F88];
	s0 =	simm.s32 @p0 $0x1  }
0x13: {  	[smem:$0x3FA3] =	sst s0;
	s0 =	simm.s32 @!p1 $0x0  }
0x14: {  	s2 =	sld [smem:$0x3F87];
	s0 =	simm.s32 @p1 $0x1  }
0x15: {  	[smem:$0x3FA4] =	sst s0;
	s0 =	simm.s32 @!p2 $0x0  }
0x16: {  	s3 =	sld [smem:$0x3FDB];
	s0 =	simm.s32 @p2 $0x1  }
0x17: {  	s4 =	simm.s32 $0x1BF5;
	[smem:$0x3FA6] =	sst s0  }
0x18: {  	s0 =	sld [smem:$0x3F89];
	_ =	swait.ge [sflag:s4], $0x0  }
0x19: {  	s7 =	sld [smem:$0x3F8A]  }
0x1a: {  	s8 =	sadd.s32 $0xFFFFE003, lr  }
0x1b: {  	s9 =	sadd.s32 $0xFFFFFEF7, lr;
	s5 =	simm.s32 $0xFFFFFFFF;
	p2 =	slt.u32 s8, $0xFFFFF086  }
0x1c: {  	p1 =	slt.u32 s9, $0xF7A;
	s5 =	simm.s32 @!p2 $0x0  }
0x1d: {  	s5 =	simm.s32 @p1 $0x1;
	p0 =	seq.s32 s7, s2  }
0x1e: {  	s7 =	smul.u32 @!p0 $0xF7A, s2;
	p2 =	seq.s32 @!p0 s5, $0x0  }
0x1f: {  	s9 =	smul.u32 $0xF7A, s1;
	s8 =	simm.s32 @!p0 $0x1BF5;
	p2 =	por !p2, p0  }
0x20: {  	[sflag:s8] =	ssyncset.s32 @!p0 $0xFFFFF086;
	s6 =	sadd.s32 @!p0 s3, s7;
	s7 =	simm.s32 @!p0 $0x108  }
0x21: {  	s3 =	sadd.s32 s3, s9;
	s6 =	sadd.s32 @!p0 $0x88, s6;
	s7 =	simm.s32 @p2 $0x1082  }
0x22: {  	[simem:s7], [sflag:s8] =	dma.local @!p0 [hbm:s6], $0xF7A  }
0x23: {  	s9 =	sor.u32 $0xD0000000, s2;
	s6 =	simm.s32 $0x108;
	_ =	swait.ge @!p0 [sflag:s8], $0x0  }
0x24: {  	s3 =	sadd.s32 $0x88, s3;
	s6 =	simm.s32 @!p1 $0x1082;
	[sflag:s4] =	ssyncset.s32 $0xFFFFF086  }
0x25: {  	[simem:s6], [sflag:s4] =	dma.local [hbm:s3], $0xF7A  }
0x26: {  	[smem:$0x3F8A] =	sst s1;
	(tag) =	ssettag s2;
	_ =	strace s9  }
0x27: {  	s1 =	sld [smem:$0x3F9A]  }
0x28: {  	s2 =	sld [smem:$0x3F9B]  }
0x29: {  	s4 =	sld [smem:$0x3F9D]  }
0x2a: {  	p0 =	seq.s32 s5, $0x0;
	s5 =	sld [smem:$0x3F9E]  }
0x2b: {  	s6 =	sld [smem:$0x3F9F]  }
0x2c: {  	s7 =	sld [smem:$0x3FA0]  }
0x2d: {  	s3 =	simm.s32 $0x108;
	s8 =	sld [smem:$0x3FA1]  }
0x2e: {  	s3 =	simm.s32 @!p0 $0x1082;
	s9 =	sld [smem:$0x3FA2]  }
0x2f: {  	lr =	sadd.s32 s0, s3;
	s0 =	sld [smem:$0x3F99]  }
0x30: {  	s3 =	sld [smem:$0x3F9C]  }
0x31: {  	[smem:$0x3FA5] =	sst s10  }
0x32: {  	s10 =	sld [smem:$0x3FA3];
	_ =	sdelay $0x3  }
0x33: {  	p0 =	seq.s32 s10, $0x1;
	s10 =	sld [smem:$0x3FA5];
	_ =	sdelay $0x3  }
0x34: {  	[smem:$0x3FA5] =	sst s10  }
0x35: {  	s10 =	sld [smem:$0x3FA4];
	_ =	sdelay $0x3  }
0x36: {  	p1 =	seq.s32 s10, $0x1;
	s10 =	sld [smem:$0x3FA5];
	_ =	sdelay $0x3  }
0x37: {  	[smem:$0x3FA5] =	sst s10  }
0x38: {  	s10 =	sld [smem:$0x3FA6]  }
0x39: {  	_ = 	snop;
	(pc) =	sbr.ind lr, $3  }
0x3a: {  	_ = 	snop  }
0x3b: {  	_ = 	snop  }
0x3c: {  	p2 =	seq.s32 s10, $0x1;
	s10 =	sld [smem:$0x3FA5]  }
0x3d: {  	_ =	shalt  }
0x3e: {  	_ =	shalt  }
0x3f: {  	_ =	shalt  }
0x40: {  	_ =	shalt  }
0x41: {  	_ =	shalt  }
0x42: {  	_ =	shalt  }
0x43: {  	_ =	shalt  }
0x44: {  	_ =	shalt  }
0x45: {  	_ =	shalt  }
0x46: {  	_ =	shalt  }
0x47: {  	_ =	shalt  }
0x48: {  	_ =	shalt  }
0x49: {  	_ =	shalt  }
0x4a: {  	_ =	shalt  }
0x4b: {  	_ =	shalt  }
0x4c: {  	_ =	shalt  }
0x4d: {  	_ =	shalt  }
0x4e: {  	_ =	shalt  }
0x4f: {  	_ =	shalt  }
0x50: {  	_ =	shalt  }
0x51: {  	_ =	shalt  }
0x52: {  	_ =	shalt  }
0x53: {  	_ =	shalt  }
0x54: {  	_ =	shalt  }
0x55: {  	_ =	shalt  }
0x56: {  	_ =	shalt  }
0x57: {  	_ =	shalt  }
0x58: {  	_ =	shalt  }
0x59: {  	_ =	shalt  }
0x5a: {  	_ =	shalt  }
0x5b: {  	_ =	shalt  }
0x5c: {  	_ =	shalt  }
0x5d: {  	_ =	shalt  }
0x5e: {  	_ =	shalt  }
0x5f: {  	_ =	shalt  }
0x60: {  	_ =	shalt  }
0x61: {  	_ =	shalt  }
0x62: {  	_ =	shalt  }
0x63: {  	_ =	shalt  }
0x64: {  	_ =	shalt  }
0x65: {  	_ =	shalt  }
0x66: {  	_ =	shalt  }
0x67: {  	_ =	shalt  }
0x68: {  	_ =	shalt  }
0x69: {  	_ =	shalt  }
0x6a: {  	_ =	shalt  }
0x6b: {  	_ =	shalt  }
0x6c: {  	_ =	shalt  }
0x6d: {  	_ =	shalt  }
0x6e: {  	_ =	shalt  }
0x6f: {  	_ =	shalt  }
0x70: {  	_ =	shalt  }
0x71: {  	_ =	shalt  }
0x72: {  	_ =	shalt  }
0x73: {  	_ =	shalt  }
0x74: {  	_ =	shalt  }
0x75: {  	_ =	shalt  }
0x76: {  	_ =	shalt  }
0x77: {  	_ =	shalt  }
0x78: {  	_ =	shalt  }
0x79: {  	_ =	shalt  }
0x7a: {  	_ =	shalt  }
0x7b: {  	_ =	shalt  }
0x7c: {  	_ =	shalt  }
0x7d: {  	_ =	shalt  }
0x7e: {  	_ =	shalt  }
0x7f: {  	_ =	shalt  }
0x80: {  	_ =	shalt  }
0x81: {  	_ =	shalt  }
0x82: {  	_ =	shalt  }
0x83: {  	_ =	shalt  }
0x84: {  	_ =	shalt  }
0x85: {  	_ =	shalt  }
0x86: {  	_ =	shalt  }
0x87: {  	_ =	shalt  }
.Lfunc_end0:
.L_simem_size_0:
called_computation.2_lowered:
.L_overlay_start_0:
0x88: {  	s2 =	sld [smem:$0x3FD9]  }
0x89: {  	s3 =	sld [smem:$0x3FFE];
	_ =	sdelay $0x1  }
0x8a: {  	s1 =	srdreg.scid  }
0x8b: {  	s0 =	sand.u32 $0x1, s1  }
0x8c: {  	s17 =	sshll.u32 s0, $0xA;
	s2 =	sadd.s32 s3, s2  }
0x8d: {  	s2 =	sadd.s32 s2, s17  }
0x8e: {  	[smem:$0x3FB1] =	sst s2  }
0x8f: {  	_ = 	snop  }
0x90: {  	s18 =	sld [smem:$0x3FC9];
	(tm) =	ssettm $0x1  }
0x91: {  	s19 =	sld [smem:$0x3FFB];
	_ =	sdelay $0x3  }
0x92: {  	_ =	strace s19  }
0x93: {  	s2 =	sld [smem:$0x3FFC];
	_ =	sdelay $0x3  }
0x94: {  	_ =	strace s2  }
0x95: {  	s2 =	sld [smem:$0x3FFD];
	_ =	sdelay $0x3  }
0x96: {  	_ =	strace s2  }
0x97: {  	_ =	strace $0x8FFFFFFF  }
0x98: {  	s20 =	sld [smem:$0x3FDB];
	_ =	sdelay $0x1  }
0x99: {  	s4 =	simm.s32 $_scs_section_size  }
0x9a: {  	s5 =	simm.s32 $_size__tile_overlayer_lowered;
	s6 =	simm.s32 $_tile_overlayer_lowered  }
0x9b: {  	s7 =	simm.s32 $0x1BFF;
	s21 =	sshll.u32 s6, $0x1;
	s4 =	sadd.s32 s4, s20  }
0x9c: {  	s22 =	simm.s32 $0x0;
	s5 =	sshll.u32 s5, $0x1;
	s6 =	sadd.s32 s21, s4  }
0x9d: {  	[timem:s22], [sflag:s7] =	dma.local [hbm:s6], s5  }
0x9e: {  	_ =	swait.ge [sflag:s7], s5  }
0x9f: {  	s5 =	ssub.s32 $0x0, s5;
	[sflag:s7] =	ssyncset.done $0x0  }
0xa0: {  	[sflag:s7] =	ssyncadd.s32 s5;
	_ =	sdelay $0x1  }
0xa1: {  	s23 =	simm.s32 $0x1B8B  }
0xa2: {  	_ =	swait.ge [sflag:s23], $0x1  }
0xa3: {  	[sflag:s23] =	ssyncset.done $0x0  }
0xa4: {  	[sflag:s23] =	ssyncadd.s32 $0xFFFFFFFF  }
0xa5: {  	s5 =	sld [smem:$0x0]  }
0xa6: {  	s6 =	sand.u32 $0xFFFFFFFE, s1  }
0xa7: {  	p0 =	sne.s32 s1, s6  }
0xa8: {  	s6 =	sshll.u32 @p0 s6, $0xE  }
0xa9: {  	s6 =	sadd.s32 @p0 $0x11B8D, s6;
	s7 =	sshll.u32 @p0 s5, $0x11  }
0xaa: {  	s6 =	sor.u32 @p0 s7, s6  }
0xab: {  	[sflag:s6] =	ssyncadd.remote.s32 @p0 $0x1;
	_ =	sdelay $0x1  }
0xac: {  	s6 =	simm.s32 @p0 $0x1B8D  }
0xad: {  	_ =	swait.eq @p0 [sflag:s6], $0x1  }
0xae: {  	[sflag:s6] =	ssyncadd.s32 @p0 $0xFFFFFFFF  }
0xaf: {  	s7 =	sshll.u32 @!p0 s1, $0xE  }
0xb0: {  	s7 =	sor.u32 @!p0 $0x4000, s7;
	s6 =	simm.s32 @!p0 $0x1B8D  }
0xb1: {  	s5 =	sshll.u32 @!p0 s5, $0x11;
	s7 =	sadd.s32 @!p0 $0x11B8D, s7;
	_ =	swait.eq @!p0 [sflag:s6], $0x1  }
0xb2: {  	s5 =	sor.u32 @!p0 s5, s7;
	[sflag:s6] =	ssyncadd.s32 @!p0 $0xFFFFFFFF  }
0xb3: {  	s25 =	simm.s32 $0x1B8E;
	s24 =	sld [smem:$0x3FFE];
	[sflag:s5] =	ssyncadd.remote.s32 @!p0 $0x1  }
0xb4: {  	s26 =	simm.s32 $execute0_lowered;
	[smem:$0x3FD2] =	sst s25  }
0xb5: {  	s6 =	sshll.u32 s26, $0x1;
	_ =	strace $0x8000004F;
	[dreg:$0x1] =	wrdreg $0xFFFFFFFF  }
0xb6: {  	s28 =	simm.s32 $_size_execute0_lowered;
	s4 =	sadd.s32 s4, s6;
	[dreg:$0x0] =	wrdreg $0x0  }
0xb7: {  	s6 =	sshll.u32 s28, $0x1;
	[dreg:$0x2] =	wrdreg s4  }
0xb8: {  	[dreg:$0x3] =	wrdreg s6  }
0xb9: {  	[dreg:$0x4] =	wrdreg $0xC0  }
0xba: {  	_ =	task [dreg:s22], $0x5FFFF  }
0xbb: {  	[dreg:$0x1] =	wrdreg $0xFFFFFFFF  }
0xbc: {  	[dreg:$0x0] =	wrdreg $0x60  }
0xbd: {  	[dreg:$0x2] =	wrdreg s18  }
0xbe: {  	[dreg:$0x3] =	wrdreg s24  }
0xbf: {  	[dreg:$0x4] =	wrdreg $0xB  }
0xc0: {  	_ =	task.clear_ibuf [dreg:s22], $0x5FFFF;
	_ =	strace $0x9000004F  }
0xc1: {  	s29 =	simm.s32 $0xB;
	_ =	strace $0x80000051  }
0xc2: {  	_ =	swait.ge [sflag:s29], $0x1  }
0xc3: {  	[sflag:s29] =	ssyncadd.s32 $0xFFFFFFFF  }
0xc4: {  	_ =	strace $0x90000051  }
0xc5: {  	_ =	sfence  }
0xc6: {  	s30 =	sld [smem:$0x0];
	_ =	sdelay $0x2  }
0xc7: {  	s31 =	sshll.u32 s1, $0xD;
	s1 =	sshrl.u32 s1, $0x2  }
0xc8: {  	s4 =	sand.u32 $0x4000, s31;
	s1 =	sadd.s32 s1, s30  }
0xc9: {  	s0 =	sor.u32 s4, s0;
	s1 =	sshll.u32 s1, $0x11  }
0xca: {  	s0 =	sor.u32 s1, s0  }
0xcb: {  	s0 =	sadd.s32 $0x8F2B, s0  }
0xcc: {  	[sflag:s0] =	ssyncadd.remote.s32 $0x1  }
0xcd: {  	_ =	sfence.sel $0xFFFF  }
0xce: {  	[dreg:$0x0] =	wrdreg $0xFFFFFFFF;
	(pc) =	sbr.abs _section_cstart, $3  }
0xcf: {  	[dreg:$0x1] =	wrdreg $0xFFFFFFFF  }
0xd0: {  	_ =	task.clear_ibuf [dreg:s22], $0x2FFFF;
	_ =	strace $0x9FFFFFFF  }
0xd1: {  	(tm) =	ssettm $0x7FFFFFFF  }
tec
execute0_lowered:
.L_overlay_start_1:
0x0: {  	(tag) =	ssettag $0x1  }
0x1: {  	s1 =	srdreg.scid;
	s0 =	stileid.u32  }
0x2: {  	s2 =	rddreg [dreg:$0x0];
	s6 =	sand.u32 $0x1, s1;
	s30 =	sshll.u32 s0, $0x1  }
0x3: {  	s9 =	rddreg [dreg:$0x1];
	s7 =	sor.u32 s6, s30  }
0x4: {  	s3 =	simm.s32 $0x0;
	s1 =	rddreg [dreg:$0x2];
	s4 =	smul.u32 $0x28, s7  }
0x5: {  	s8 =	simm.s32 $0x1;
	[smem:$0x7FF] =	sst s3  }
0x6: {  	_ =	strace $0x80000050;
	s11 =	ssub.s32 $0x2, s6;
	s4 =	sadd.s32 s4, s9  }
0x7: {  	s6 =	simm.s32 $0x140;
	s5 =	sadd.s32 $0xA0800, s4;
	s4 =	simm.s32 $0x2  }
0x8: {  	[tilespmem:s3], [sflag:$0x2] =	stream.linear.gather [hbm4b:s5+s3], $0x140, $0x38;
	[tilespmem:$0xA180] =	vst v63  }
0x9: {  	s10 =	smul.u32 $0x1400, s7;
	s12 =	sshrl.u32 s11, $0x1;
	_ =	swait.ge [sflag:s4], $0x140  }
0xa: {  	s7 =	simm.s32 $0x180;
	s31 =	ssub.s32 s11, s12;
	[sflag:s4] =	ssyncset.done $0x0  }
0xb: {  	s9 =	sadd.s32 s10, s9;
	s10 =	smax.u32 s31, $0x1;
	[sflag:s4] =	ssyncadd.s32 $0xFFFFFEC0  }
0xc: {  	[tilespmem:s7], [sflag:$0x1] =	stream.indirect.gather [hbm4b:s2+s6], $0x80, s3, s6, $0xb8;
	[tilespmem:$0xA180] =	vst v63  }
0xd: {  	p0 =	sne.s32 s10, $0x1;
	_ =	swait.ge [sflag:s8], $0xA000  }
.Ltmp0:
0xe: {  	[sflag:s8] =	ssyncset.done $0x0;
	(pc) =	sbr.rel @!p0 .LBB2_2-.Ltmp0, $4  }
0xf: {  	s9 =	sadd.s32 $0xA0E00, s9;
	[sflag:s8] =	ssyncadd.s32 $0xFFFF6000  }
0x10: {  	[hbm4b:s9+s3] =	stream.linear.scatter [tilespmem:s7], [sflag:$0x2], $0xA000, $0x38;
	[tilespmem:$0xA180] =	vst v63  }
0x11: {  	_ =	swait.ge [sflag:s4], $0xA000  }
0x12: {  	s10 =	sadd.s32 $0xFFFFFFFF, s10;
	[sflag:s4] =	ssyncset.done $0x0  }
.LBB2_1:
0x13: {  	p0 =	sne.s32 s10, $0x1;
	s10 =	sadd.s32 $0xFFFFFFFF, s10;
	[sflag:s4] =	ssyncadd.s32 $0xFFFF6000  }
0x14: {  	[tilespmem:s3], [sflag:$0x2] =	stream.linear.gather [hbm4b:s5+s3], $0x140, $0x38;
	[tilespmem:$0xA180] =	vst v63  }
0x15: {  	_ =	swait.ge [sflag:s4], $0x140  }
0x16: {  	[sflag:s4] =	ssyncset.done $0x0  }
0x17: {  	[sflag:s4] =	ssyncadd.s32 $0xFFFFFEC0  }
0x18: {  	[tilespmem:s7], [sflag:$0x1] =	stream.indirect.gather [hbm4b:s2+s6], $0x80, s3, s6, $0xb8;
	[tilespmem:$0xA180] =	vst v63  }
0x19: {  	_ =	swait.ge [sflag:s8], $0xA000  }
.Ltmp1:
0x1a: {  	[sflag:s8] =	ssyncset.done $0x0;
	(pc) =	sbr.rel @p0 .LBB2_1-.Ltmp1, $4  }
0x1b: {  	[sflag:s8] =	ssyncadd.s32 $0xFFFF6000  }
0x1c: {  	[hbm4b:s9+s3] =	stream.linear.scatter [tilespmem:s7], [sflag:$0x2], $0xA000, $0x38;
	[tilespmem:$0xA180] =	vst v63  }
0x1d: {  	_ =	swait.ge [sflag:s4], $0xA000  }
0x1e: {  	[sflag:s4] =	ssyncset.done $0x0  }
.LBB2_2:
0x1f: {  	[sflag:s4] =	ssyncadd.s32 $0xFFFF6000  }
0x20: {  	_ =	sfence.sel $0x180000  }
0x21: {  	[bflag:$0x0] =	sbarrier.arrive $0xFFFF  }
0x22: {  	p0 =	sne.s32 s0, $0x0;
	_ =	strace $0x90000050  }
0x23: {  	s0 =	sadd.s32 @!p0 $0x100000, s1;
	[bflag:$0x2] =	sbarrier.arrive $0xFFFF  }
0x24: {  	[sflag:s0] =	ssyncadd.tile.s32 @!p0 $0x1;
	_ =	shalt  }
.Lfunc_end2:
_tile_overlayer_lowered:
.L_overlay_start_2:
0x25: {  	(tag) =	ssettag $0x2  }
0x26: {  	s0 =	rddreg [dreg:$0x0];
	s2 =	stileid.u32  }
0x27: {  	s1 =	rddreg [dreg:$0x1];
	p0 =	sne.s32 s2, $0x0  }
0x28: {  	s3 =	rddreg [dreg:$0x2];
	[bflag:$0x3] =	sbarrier.arrive $0xFFFF;
	s2 =	simm.s32 @!p0 $0x1C02  }
0x29: {  	[timem:s3], [sflag:s2] =	dma.local @!p0 [hbm:s0], s1  }
0x2a: {  	s0 =	simm.s32 @!p0 $0x2  }
0x2b: {  	_ =	swait.ge @!p0 [sflag:s0], s1  }
0x2c: {  	s1 =	ssub.s32 @!p0 $0x0, s1;
	[sflag:s0] =	ssyncset.done @!p0 $0x0  }
0x2d: {  	[sflag:s0] =	ssyncadd.s32 @!p0 s1  }
0x2e: {  	[bflag:$0x3] =	sbarrier.arrive $0xFFFF  }
0x2f: {  	_ =	shalt  }

</sc_bundles>
